<compile_context>
chip_gen: v7x
topology: tpu7x:2x2x1
jax: 0.10.2.dev20260603
libtpu: 0.0.44.dev20260713+nightly
codegen_flags: <defaults>
</compile_context>

<pallas_src>
import functools

import jax
import jax.numpy as jnp
from jax import lax
from jax.experimental import pallas as pl
from jax.experimental.pallas import tpu as pltpu
from jax.experimental.pallas import tpu_sc as plsc

MAX_LEN = 128
SIDE = MAX_LEN + 1
FLAT = SIDE * SIDE
FLAT_PAD = 16704
STRIDE = 136

_info = plsc.get_sparse_core_info()
NC = _info.num_cores
NS = _info.num_subcores
L = _info.num_lanes
NW = NC * NS


NCH = 1
GCH = 4


def _make_lookup(B: int):
    b_per_w = B // NW
    chunk = b_per_w // NCH
    mesh = plsc.VectorSubcoreMesh(core_axis_name="c", subcore_axis_name="s")

    @functools.partial(
        pl.kernel,
        mesh=mesh,
        out_type=jax.ShapeDtypeStruct((B,), jnp.float32),
        compiler_params=pltpu.CompilerParams(needs_layout_passes=False),
        scratch_types=[
            pltpu.VMEM((b_per_w,), jnp.int32),
            pltpu.VMEM((b_per_w,), jnp.int32),
            pltpu.VMEM((b_per_w,), jnp.int32),
            pltpu.VMEM((b_per_w,), jnp.float32),
            pltpu.VMEM_SHARED((FLAT,), jnp.float32),
            pltpu.SemaphoreType.DMA((NCH,)),
            pltpu.SemaphoreType.DMA((GCH,)),
            pltpu.SemaphoreType.DMA((GCH,)),
            pltpu.SemaphoreType.DMA,
        ],
    )
    def lookup(
        var_hbm,
        pre_hbm,
        tab_hbm,
        out_hbm,
        var_v,
        pre_v,
        idx_v,
        out_v,
        tab_s,
        sem_i,
        sem_g,
        sem_o,
        sem_t,
    ):
        sid = lax.axis_index("s")
        wid = sid * NC + lax.axis_index("c")
        base = wid * b_per_w
        ins = []
        for j in range(NCH):
            lo = j * chunk
            cp_v = pltpu.make_async_copy(
                var_hbm.at[pl.ds(base + lo, chunk)],
                var_v.at[pl.ds(lo, chunk)],
                sem_i.at[j],
            )
            cp_p = pltpu.make_async_copy(
                pre_hbm.at[pl.ds(base + lo, chunk)],
                pre_v.at[pl.ds(lo, chunk)],
                sem_i.at[j],
            )
            cp_v.start()
            cp_p.start()
            ins.append((cp_v, cp_p))

        cp_t = pltpu.make_async_copy(tab_hbm, tab_s, sem_t)

        @pl.when(sid == 0)
        def _stage_table_start():
            cp_t.start()

        for j in range(NCH):
            lo = j * chunk
            ins[j][0].wait()
            ins[j][1].wait()
            for i in range(chunk // L):
                off = lo + i * L
                v = var_v[pl.ds(off, L)]
                p = pre_v[pl.ds(off, L)]
                idx_v[pl.ds(off, L)] = v * SIDE + p

        @pl.when(sid == 0)
        def _stage_table_wait():
            cp_t.wait()

        plsc.subcore_barrier()
        gchunk = b_per_w // GCH
        gathers = []
        for j in range(GCH):
            lo = j * gchunk
            cp_g = pltpu.make_async_copy(
                tab_s.at[idx_v.at[pl.ds(lo, gchunk)]],
                out_v.at[pl.ds(lo, gchunk)],
                sem_g.at[j],
            )
            cp_g.start()
            gathers.append(cp_g)
        outs = []
        for j in range(GCH):
            lo = j * gchunk
            gathers[j].wait()
            cp_o = pltpu.make_async_copy(
                out_v.at[pl.ds(lo, gchunk)],
                out_hbm.at[pl.ds(base + lo, gchunk)],
                sem_o.at[j],
            )
            cp_o.start()
            outs.append(cp_o)
        for cp_o in outs:
            cp_o.wait()

    return lookup


def kernel(var_len, prefix_idx, table):
    B = var_len.shape[0]
    fn = _make_lookup(B)
    return fn(
        var_len.astype(jnp.int32),
        prefix_idx.astype(jnp.int32),
        table.reshape(-1).astype(jnp.float32),
    )

# --- scband reference (transcript-rebuilt; emitter-appended) ---
"""Pipeline reference for scband-var-variant-prefix-28467043238422 (READ-ONLY COPY).

The authoritative reference and input builder live on the scoring server;
editing this copy changes nothing except your own understanding.
"""

import jax, jax.numpy as jnp
import numpy as np

MAX_LEN = 128
B = 16384

def setup_inputs(seed: int = 0) -> dict:
    key = jax.random.key(seed)
    k1, k2, k3 = jax.random.split(key, 3)
    var_len = jax.random.randint(k1, (B,), 0, MAX_LEN + 1)
    prefix_idx = jax.random.randint(k2, (B,), 0, MAX_LEN + 1)
    # Embed((max_len + 1, max_len + 1)) learned parameter grid
    table = jax.random.normal(k3, (MAX_LEN + 1, MAX_LEN + 1), dtype=jnp.float32) * 0.02
    return {"var_len": var_len, "prefix_idx": prefix_idx, "table": table}

def reference(var_len, prefix_idx, table):
    # self.var_len_and_prefix_idx(len(variant), prefix_len):
    # a 2D-indexed embedding lookup into the (max_len+1, max_len+1) parameter grid,
    # batched over all (variant_len, prefix_len) pairs produced by the matcher.
    return table[var_len, prefix_idx]

if __name__ == "__main__":
    import jax
    _d = setup_inputs()
    print(jax.jit(kernel)(*tuple(_d.values())))

</pallas_src>

<mosaic_0001>
#map = affine_map<(d0, d1) -> (0)>
module attributes {stable_mosaic.version = 14 : i64} {
  func.func @lookup(%arg0: i32, %arg1: i32, %arg2: memref<16384xi32, #tpu.memory_space<hbm>>, %arg3: memref<16384xi32, #tpu.memory_space<hbm>>, %arg4: memref<16641xf32, #tpu.memory_space<hbm>>, %arg5: memref<16384xf32, #tpu.memory_space<hbm>>, %arg6: memref<512xi32, #tpu.memory_space<vmem>>, %arg7: memref<512xi32, #tpu.memory_space<vmem>>, %arg8: memref<512xi32, #tpu.memory_space<vmem>>, %arg9: memref<512xf32, #tpu.memory_space<vmem>>, %arg10: memref<16641xf32, #tpu.memory_space<vmem_shared>>, %arg11: memref<1x!tpu.dma_semaphore, #tpu.memory_space<semaphore_mem>>, %arg12: memref<4x!tpu.dma_semaphore, #tpu.memory_space<semaphore_mem>>, %arg13: memref<4x!tpu.dma_semaphore, #tpu.memory_space<semaphore_mem>>, %arg14: memref<!tpu.dma_semaphore, #tpu.memory_space<semaphore_mem>>) attributes {dimension_semantics = [#tpu.dimension_semantics<core_parallel>, #tpu.dimension_semantics<subcore_parallel>], iteration_bounds = array<i64: 2, 16>, scalar_prefetch = 0 : i64, scratch_operands = 9 : i64, tpu.core_type = #tpu.core_type<sc_vector_subcore>, window_params = [{transform_indices = #map}, {transform_indices = #map}, {transform_indices = #map}, {transform_indices = #map}]} {
    %mul3A = arith.constant 2 : i32
    %mul3A_0 = arith.muli %arg1, %mul3A : i32
    %add3A = arith.addi %mul3A_0, %arg0 : i32
    %mul3A_1 = arith.constant 512 : i32
    %mul3A_2 = arith.muli %add3A, %mul3A_1 : i32
    %add3A_3 = arith.constant 0 : i32
    %add3A_4 = arith.addi %mul3A_2, %add3A_3 : i32
    %add3A_5 = arith.constant 0 : i32
    %add3A_6 = arith.addi %mul3A_2, %add3A_5 : i32
    %dma_start3A = arith.constant 0 : i32
    %dma_start3A_7 = arith.constant 0 : i32
    %dma_start3A_8 = tpu.memref_slice %arg6[%dma_start3A_7] : memref<512xi32, #tpu.memory_space<vmem>> -> memref<512xi32, #tpu.memory_space<vmem>>
    %dma_start3A_9 = tpu.memref_slice %arg2[%add3A_4] : memref<16384xi32, #tpu.memory_space<hbm>> -> memref<512xi32, #tpu.memory_space<hbm>>
    %dma_start3A_10 = tpu.memref_slice %arg11[%dma_start3A] : memref<1x!tpu.dma_semaphore, #tpu.memory_space<semaphore_mem>> -> memref<1x!tpu.dma_semaphore, #tpu.memory_space<semaphore_mem>>
    %dma_start3A_11 = tpu.memref_squeeze %dma_start3A_10 : memref<1x!tpu.dma_semaphore, #tpu.memory_space<semaphore_mem>> -> memref<!tpu.dma_semaphore, #tpu.memory_space<semaphore_mem>>
    %dma_start3A_12 = arith.constant 0 : i32
    %dma_start3A_13 = tpu.memref_slice %arg6[%dma_start3A_12] : memref<512xi32, #tpu.memory_space<vmem>> -> memref<512xi32, #tpu.memory_space<vmem>>
    %dma_start3A_14 = tpu.memref_slice %arg2[%add3A_4] : memref<16384xi32, #tpu.memory_space<hbm>> -> memref<512xi32, #tpu.memory_space<hbm>>
    tpu.enqueue_dma source(%dma_start3A_14 : memref<512xi32, #tpu.memory_space<hbm>>) target(%dma_start3A_13 : memref<512xi32, #tpu.memory_space<vmem>>) target_semaphore(%dma_start3A_11 : memref<!tpu.dma_semaphore, #tpu.memory_space<semaphore_mem>>)
    %dma_start3A_15 = arith.constant 0 : i32
    %dma_start3A_16 = arith.constant 0 : i32
    %dma_start3A_17 = tpu.memref_slice %arg7[%dma_start3A_16] : memref<512xi32, #tpu.memory_space<vmem>> -> memref<512xi32, #tpu.memory_space<vmem>>
    %dma_start3A_18 = tpu.memref_slice %arg3[%add3A_6] : memref<16384xi32, #tpu.memory_space<hbm>> -> memref<512xi32, #tpu.memory_space<hbm>>
    %dma_start3A_19 = tpu.memref_slice %arg11[%dma_start3A_15] : memref<1x!tpu.dma_semaphore, #tpu.memory_space<semaphore_mem>> -> memref<1x!tpu.dma_semaphore, #tpu.memory_space<semaphore_mem>>
    %dma_start3A_20 = tpu.memref_squeeze %dma_start3A_19 : memref<1x!tpu.dma_semaphore, #tpu.memory_space<semaphore_mem>> -> memref<!tpu.dma_semaphore, #tpu.memory_space<semaphore_mem>>
    %dma_start3A_21 = arith.constant 0 : i32
    %dma_start3A_22 = tpu.memref_slice %arg7[%dma_start3A_21] : memref<512xi32, #tpu.memory_space<vmem>> -> memref<512xi32, #tpu.memory_space<vmem>>
    %dma_start3A_23 = tpu.memref_slice %arg3[%add3A_6] : memref<16384xi32, #tpu.memory_space<hbm>> -> memref<512xi32, #tpu.memory_space<hbm>>
    tpu.enqueue_dma source(%dma_start3A_23 : memref<512xi32, #tpu.memory_space<hbm>>) target(%dma_start3A_22 : memref<512xi32, #tpu.memory_space<vmem>>) target_semaphore(%dma_start3A_20 : memref<!tpu.dma_semaphore, #tpu.memory_space<semaphore_mem>>)
    %eq3A = arith.constant 0 : i32
    %eq3A_24 = arith.cmpi eq, %arg1, %eq3A : i32
    %convert_element_type3A = arith.extui %eq3A_24 : i1 to i32
    %cond3A = arith.constant 0 : i32
    %cond3A_25 = arith.cmpi ne, %convert_element_type3A, %cond3A : i32
    scf.if %cond3A_25 {
      tpu.enqueue_dma source(%arg4 : memref<16641xf32, #tpu.memory_space<hbm>>) target(%arg10 : memref<16641xf32, #tpu.memory_space<vmem_shared>>) target_semaphore(%arg14 : memref<!tpu.dma_semaphore, #tpu.memory_space<semaphore_mem>>)
    } else {
    }
    %dma_wait3A = arith.constant 0 : i32
    %dma_wait3A_26 = arith.constant 0 : i32
    %dma_wait3A_27 = tpu.memref_slice %arg6[%dma_wait3A_26] : memref<512xi32, #tpu.memory_space<vmem>> -> memref<512xi32, #tpu.memory_space<vmem>>
    %dma_wait3A_28 = tpu.memref_slice %arg2[%add3A_4] : memref<16384xi32, #tpu.memory_space<hbm>> -> memref<512xi32, #tpu.memory_space<hbm>>
    %dma_wait3A_29 = tpu.memref_slice %arg11[%dma_wait3A] : memref<1x!tpu.dma_semaphore, #tpu.memory_space<semaphore_mem>> -> memref<1x!tpu.dma_semaphore, #tpu.memory_space<semaphore_mem>>
    %dma_wait3A_30 = tpu.memref_squeeze %dma_wait3A_29 : memref<1x!tpu.dma_semaphore, #tpu.memory_space<semaphore_mem>> -> memref<!tpu.dma_semaphore, #tpu.memory_space<semaphore_mem>>
    %dma_wait3A_31 = arith.constant 0 : i32
    %dma_wait3A_32 = tpu.memref_slice %arg6[%dma_wait3A_31] : memref<512xi32, #tpu.memory_space<vmem>> -> memref<512xi32, #tpu.memory_space<vmem>>
    %dma_wait3A_33 = tpu.memref_slice %arg2[%add3A_4] : memref<16384xi32, #tpu.memory_space<hbm>> -> memref<512xi32, #tpu.memory_space<hbm>>
    tpu.wait_dma2 semaphore(%dma_wait3A_30 : memref<!tpu.dma_semaphore, #tpu.memory_space<semaphore_mem>>) src(%dma_wait3A_33 : memref<512xi32, #tpu.memory_space<hbm>>) dst(%dma_wait3A_32 : memref<512xi32, #tpu.memory_space<vmem>>)
    %dma_wait3A_34 = arith.constant 0 : i32
    %dma_wait3A_35 = arith.constant 0 : i32
    %dma_wait3A_36 = tpu.memref_slice %arg7[%dma_wait3A_35] : memref<512xi32, #tpu.memory_space<vmem>> -> memref<512xi32, #tpu.memory_space<vmem>>
    %dma_wait3A_37 = tpu.memref_slice %arg3[%add3A_6] : memref<16384xi32, #tpu.memory_space<hbm>> -> memref<512xi32, #tpu.memory_space<hbm>>
    %dma_wait3A_38 = tpu.memref_slice %arg11[%dma_wait3A_34] : memref<1x!tpu.dma_semaphore, #tpu.memory_space<semaphore_mem>> -> memref<1x!tpu.dma_semaphore, #tpu.memory_space<semaphore_mem>>
    %dma_wait3A_39 = tpu.memref_squeeze %dma_wait3A_38 : memref<1x!tpu.dma_semaphore, #tpu.memory_space<semaphore_mem>> -> memref<!tpu.dma_semaphore, #tpu.memory_space<semaphore_mem>>
    %dma_wait3A_40 = arith.constant 0 : i32
    %dma_wait3A_41 = tpu.memref_slice %arg7[%dma_wait3A_40] : memref<512xi32, #tpu.memory_space<vmem>> -> memref<512xi32, #tpu.memory_space<vmem>>
    %dma_wait3A_42 = tpu.memref_slice %arg3[%add3A_6] : memref<16384xi32, #tpu.memory_space<hbm>> -> memref<512xi32, #tpu.memory_space<hbm>>
    tpu.wait_dma2 semaphore(%dma_wait3A_39 : memref<!tpu.dma_semaphore, #tpu.memory_space<semaphore_mem>>) src(%dma_wait3A_42 : memref<512xi32, #tpu.memory_space<hbm>>) dst(%dma_wait3A_41 : memref<512xi32, #tpu.memory_space<vmem>>)
    %get3A = arith.constant 0 : index
    %get3A_43 = tpu.vector_load %arg6[%get3A] {strides = array<i32>} : memref<512xi32, #tpu.memory_space<vmem>>, vector<16xi32>,
    %get3A_44 = arith.constant 0 : index
    %get3A_45 = tpu.vector_load %arg7[%get3A_44] {strides = array<i32>} : memref<512xi32, #tpu.memory_space<vmem>>, vector<16xi32>,
    %mul3A_46 = arith.constant 129 : i32
    %mul3A_47 = vector.broadcast %mul3A_46 : i32 to vector<16xi32>
    %mul3A_48 = arith.muli %get3A_43, %mul3A_47 : vector<16xi32>
    %add3A_49 = arith.addi %mul3A_48, %get3A_45 : vector<16xi32>
    %swap3A = arith.constant 0 : index
    %swap3A_50 = tpu.vector_load %arg8[%swap3A] {strides = array<i32>} : memref<512xi32, #tpu.memory_space<vmem>>, vector<16xi32>,
    tpu.vector_store %arg8[%swap3A], %add3A_49 {strides = array<i32>} : memref<512xi32, #tpu.memory_space<vmem>>, vector<16xi32>,
    %get3A_51 = arith.constant 16 : index
    %get3A_52 = tpu.vector_load %arg6[%get3A_51] {strides = array<i32>} : memref<512xi32, #tpu.memory_space<vmem>>, vector<16xi32>,
    %get3A_53 = arith.constant 16 : index
    %get3A_54 = tpu.vector_load %arg7[%get3A_53] {strides = array<i32>} : memref<512xi32, #tpu.memory_space<vmem>>, vector<16xi32>,
    %mul3A_55 = arith.constant 129 : i32
    %mul3A_56 = vector.broadcast %mul3A_55 : i32 to vector<16xi32>
    %mul3A_57 = arith.muli %get3A_52, %mul3A_56 : vector<16xi32>
    %add3A_58 = arith.addi %mul3A_57, %get3A_54 : vector<16xi32>
    %swap3A_59 = arith.constant 16 : index
    %swap3A_60 = tpu.vector_load %arg8[%swap3A_59] {strides = array<i32>} : memref<512xi32, #tpu.memory_space<vmem>>, vector<16xi32>,
    tpu.vector_store %arg8[%swap3A_59], %add3A_58 {strides = array<i32>} : memref<512xi32, #tpu.memory_space<vmem>>, vector<16xi32>,
    %get3A_61 = arith.constant 32 : index
    %get3A_62 = tpu.vector_load %arg6[%get3A_61] {strides = array<i32>} : memref<512xi32, #tpu.memory_space<vmem>>, vector<16xi32>,
    %get3A_63 = arith.constant 32 : index
    %get3A_64 = tpu.vector_load %arg7[%get3A_63] {strides = array<i32>} : memref<512xi32, #tpu.memory_space<vmem>>, vector<16xi32>,
    %mul3A_65 = arith.constant 129 : i32
    %mul3A_66 = vector.broadcast %mul3A_65 : i32 to vector<16xi32>
    %mul3A_67 = arith.muli %get3A_62, %mul3A_66 : vector<16xi32>
    %add3A_68 = arith.addi %mul3A_67, %get3A_64 : vector<16xi32>
    %swap3A_69 = arith.constant 32 : index
    %swap3A_70 = tpu.vector_load %arg8[%swap3A_69] {strides = array<i32>} : memref<512xi32, #tpu.memory_space<vmem>>, vector<16xi32>,
    tpu.vector_store %arg8[%swap3A_69], %add3A_68 {strides = array<i32>} : memref<512xi32, #tpu.memory_space<vmem>>, vector<16xi32>,
    %get3A_71 = arith.constant 48 : index
    %get3A_72 = tpu.vector_load %arg6[%get3A_71] {strides = array<i32>} : memref<512xi32, #tpu.memory_space<vmem>>, vector<16xi32>,
    %get3A_73 = arith.constant 48 : index
    %get3A_74 = tpu.vector_load %arg7[%get3A_73] {strides = array<i32>} : memref<512xi32, #tpu.memory_space<vmem>>, vector<16xi32>,
    %mul3A_75 = arith.constant 129 : i32
    %mul3A_76 = vector.broadcast %mul3A_75 : i32 to vector<16xi32>
    %mul3A_77 = arith.muli %get3A_72, %mul3A_76 : vector<16xi32>
    %add3A_78 = arith.addi %mul3A_77, %get3A_74 : vector<16xi32>
    %swap3A_79 = arith.constant 48 : index
    %swap3A_80 = tpu.vector_load %arg8[%swap3A_79] {strides = array<i32>} : memref<512xi32, #tpu.memory_space<vmem>>, vector<16xi32>,
    tpu.vector_store %arg8[%swap3A_79], %add3A_78 {strides = array<i32>} : memref<512xi32, #tpu.memory_space<vmem>>, vector<16xi32>,
    %get3A_81 = arith.constant 64 : index
    %get3A_82 = tpu.vector_load %arg6[%get3A_81] {strides = array<i32>} : memref<512xi32, #tpu.memory_space<vmem>>, vector<16xi32>,
    %get3A_83 = arith.constant 64 : index
    %get3A_84 = tpu.vector_load %arg7[%get3A_83] {strides = array<i32>} : memref<512xi32, #tpu.memory_space<vmem>>, vector<16xi32>,
    %mul3A_85 = arith.constant 129 : i32
    %mul3A_86 = vector.broadcast %mul3A_85 : i32 to vector<16xi32>
    %mul3A_87 = arith.muli %get3A_82, %mul3A_86 : vector<16xi32>
    %add3A_88 = arith.addi %mul3A_87, %get3A_84 : vector<16xi32>
    %swap3A_89 = arith.constant 64 : index
    %swap3A_90 = tpu.vector_load %arg8[%swap3A_89] {strides = array<i32>} : memref<512xi32, #tpu.memory_space<vmem>>, vector<16xi32>,
    tpu.vector_store %arg8[%swap3A_89], %add3A_88 {strides = array<i32>} : memref<512xi32, #tpu.memory_space<vmem>>, vector<16xi32>,
    %get3A_91 = arith.constant 80 : index
    %get3A_92 = tpu.vector_load %arg6[%get3A_91] {strides = array<i32>} : memref<512xi32, #tpu.memory_space<vmem>>, vector<16xi32>,
    %get3A_93 = arith.constant 80 : index
    %get3A_94 = tpu.vector_load %arg7[%get3A_93] {strides = array<i32>} : memref<512xi32, #tpu.memory_space<vmem>>, vector<16xi32>,
    %mul3A_95 = arith.constant 129 : i32
    %mul3A_96 = vector.broadcast %mul3A_95 : i32 to vector<16xi32>
    %mul3A_97 = arith.muli %get3A_92, %mul3A_96 : vector<16xi32>
    %add3A_98 = arith.addi %mul3A_97, %get3A_94 : vector<16xi32>
    %swap3A_99 = arith.constant 80 : index
    %swap3A_100 = tpu.vector_load %arg8[%swap3A_99] {strides = array<i32>} : memref<512xi32, #tpu.memory_space<vmem>>, vector<16xi32>,
    tpu.vector_store %arg8[%swap3A_99], %add3A_98 {strides = array<i32>} : memref<512xi32, #tpu.memory_space<vmem>>, vector<16xi32>,
    %get3A_101 = arith.constant 96 : index
    %get3A_102 = tpu.vector_load %arg6[%get3A_101] {strides = array<i32>} : memref<512xi32, #tpu.memory_space<vmem>>, vector<16xi32>,
    %get3A_103 = arith.constant 96 : index
    %get3A_104 = tpu.vector_load %arg7[%get3A_103] {strides = array<i32>} : memref<512xi32, #tpu.memory_space<vmem>>, vector<16xi32>,
    %mul3A_105 = arith.constant 129 : i32
    %mul3A_106 = vector.broadcast %mul3A_105 : i32 to vector<16xi32>
    %mul3A_107 = arith.muli %get3A_102, %mul3A_106 : vector<16xi32>
    %add3A_108 = arith.addi %mul3A_107, %get3A_104 : vector<16xi32>
    %swap3A_109 = arith.constant 96 : index
    %swap3A_110 = tpu.vector_load %arg8[%swap3A_109] {strides = array<i32>} : memref<512xi32, #tpu.memory_space<vmem>>, vector<16xi32>,
    tpu.vector_store %arg8[%swap3A_109], %add3A_108 {strides = array<i32>} : memref<512xi32, #tpu.memory_space<vmem>>, vector<16xi32>,
    %get3A_111 = arith.constant 112 : index
    %get3A_112 = tpu.vector_load %arg6[%get3A_111] {strides = array<i32>} : memref<512xi32, #tpu.memory_space<vmem>>, vector<16xi32>,
    %get3A_113 = arith.constant 112 : index
    %get3A_114 = tpu.vector_load %arg7[%get3A_113] {strides = array<i32>} : memref<512xi32, #tpu.memory_space<vmem>>, vector<16xi32>,
    %mul3A_115 = arith.constant 129 : i32
    %mul3A_116 = vector.broadcast %mul3A_115 : i32 to vector<16xi32>
    %mul3A_117 = arith.muli %get3A_112, %mul3A_116 : vector<16xi32>
    %add3A_118 = arith.addi %mul3A_117, %get3A_114 : vector<16xi32>
    %swap3A_119 = arith.constant 112 : index
    %swap3A_120 = tpu.vector_load %arg8[%swap3A_119] {strides = array<i32>} : memref<512xi32, #tpu.memory_space<vmem>>, vector<16xi32>,
    tpu.vector_store %arg8[%swap3A_119], %add3A_118 {strides = array<i32>} : memref<512xi32, #tpu.memory_space<vmem>>, vector<16xi32>,
    %get3A_121 = arith.constant 128 : index
    %get3A_122 = tpu.vector_load %arg6[%get3A_121] {strides = array<i32>} : memref<512xi32, #tpu.memory_space<vmem>>, vector<16xi32>,
    %get3A_123 = arith.constant 128 : index
    %get3A_124 = tpu.vector_load %arg7[%get3A_123] {strides = array<i32>} : memref<512xi32, #tpu.memory_space<vmem>>, vector<16xi32>,
    %mul3A_125 = arith.constant 129 : i32
    %mul3A_126 = vector.broadcast %mul3A_125 : i32 to vector<16xi32>
    %mul3A_127 = arith.muli %get3A_122, %mul3A_126 : vector<16xi32>
    %add3A_128 = arith.addi %mul3A_127, %get3A_124 : vector<16xi32>
    %swap3A_129 = arith.constant 128 : index
    %swap3A_130 = tpu.vector_load %arg8[%swap3A_129] {strides = array<i32>} : memref<512xi32, #tpu.memory_space<vmem>>, vector<16xi32>,
    tpu.vector_store %arg8[%swap3A_129], %add3A_128 {strides = array<i32>} : memref<512xi32, #tpu.memory_space<vmem>>, vector<16xi32>,
    %get3A_131 = arith.constant 144 : index
    %get3A_132 = tpu.vector_load %arg6[%get3A_131] {strides = array<i32>} : memref<512xi32, #tpu.memory_space<vmem>>, vector<16xi32>,
    %get3A_133 = arith.constant 144 : index
    %get3A_134 = tpu.vector_load %arg7[%get3A_133] {strides = array<i32>} : memref<512xi32, #tpu.memory_space<vmem>>, vector<16xi32>,
    %mul3A_135 = arith.constant 129 : i32
    %mul3A_136 = vector.broadcast %mul3A_135 : i32 to vector<16xi32>
    %mul3A_137 = arith.muli %get3A_132, %mul3A_136 : vector<16xi32>
    %add3A_138 = arith.addi %mul3A_137, %get3A_134 : vector<16xi32>
    %swap3A_139 = arith.constant 144 : index
    %swap3A_140 = tpu.vector_load %arg8[%swap3A_139] {strides = array<i32>} : memref<512xi32, #tpu.memory_space<vmem>>, vector<16xi32>,
    tpu.vector_store %arg8[%swap3A_139], %add3A_138 {strides = array<i32>} : memref<512xi32, #tpu.memory_space<vmem>>, vector<16xi32>,
    %get3A_141 = arith.constant 160 : index
    %get3A_142 = tpu.vector_load %arg6[%get3A_141] {strides = array<i32>} : memref<512xi32, #tpu.memory_space<vmem>>, vector<16xi32>,
    %get3A_143 = arith.constant 160 : index
    %get3A_144 = tpu.vector_load %arg7[%get3A_143] {strides = array<i32>} : memref<512xi32, #tpu.memory_space<vmem>>, vector<16xi32>,
    %mul3A_145 = arith.constant 129 : i32
    %mul3A_146 = vector.broadcast %mul3A_145 : i32 to vector<16xi32>
    %mul3A_147 = arith.muli %get3A_142, %mul3A_146 : vector<16xi32>
    %add3A_148 = arith.addi %mul3A_147, %get3A_144 : vector<16xi32>
    %swap3A_149 = arith.constant 160 : index
    %swap3A_150 = tpu.vector_load %arg8[%swap3A_149] {strides = array<i32>} : memref<512xi32, #tpu.memory_space<vmem>>, vector<16xi32>,
    tpu.vector_store %arg8[%swap3A_149], %add3A_148 {strides = array<i32>} : memref<512xi32, #tpu.memory_space<vmem>>, vector<16xi32>,
    %get3A_151 = arith.constant 176 : index
    %get3A_152 = tpu.vector_load %arg6[%get3A_151] {strides = array<i32>} : memref<512xi32, #tpu.memory_space<vmem>>, vector<16xi32>,
    %get3A_153 = arith.constant 176 : index
    %get3A_154 = tpu.vector_load %arg7[%get3A_153] {strides = array<i32>} : memref<512xi32, #tpu.memory_space<vmem>>, vector<16xi32>,
    %mul3A_155 = arith.constant 129 : i32
    %mul3A_156 = vector.broadcast %mul3A_155 : i32 to vector<16xi32>
    %mul3A_157 = arith.muli %get3A_152, %mul3A_156 : vector<16xi32>
    %add3A_158 = arith.addi %mul3A_157, %get3A_154 : vector<16xi32>
    %swap3A_159 = arith.constant 176 : index
    %swap3A_160 = tpu.vector_load %arg8[%swap3A_159] {strides = array<i32>} : memref<512xi32, #tpu.memory_space<vmem>>, vector<16xi32>,
    tpu.vector_store %arg8[%swap3A_159], %add3A_158 {strides = array<i32>} : memref<512xi32, #tpu.memory_space<vmem>>, vector<16xi32>,
    %get3A_161 = arith.constant 192 : index
    %get3A_162 = tpu.vector_load %arg6[%get3A_161] {strides = array<i32>} : memref<512xi32, #tpu.memory_space<vmem>>, vector<16xi32>,
    %get3A_163 = arith.constant 192 : index
    %get3A_164 = tpu.vector_load %arg7[%get3A_163] {strides = array<i32>} : memref<512xi32, #tpu.memory_space<vmem>>, vector<16xi32>,
    %mul3A_165 = arith.constant 129 : i32
    %mul3A_166 = vector.broadcast %mul3A_165 : i32 to vector<16xi32>
    %mul3A_167 = arith.muli %get3A_162, %mul3A_166 : vector<16xi32>
    %add3A_168 = arith.addi %mul3A_167, %get3A_164 : vector<16xi32>
    %swap3A_169 = arith.constant 192 : index
    %swap3A_170 = tpu.vector_load %arg8[%swap3A_169] {strides = array<i32>} : memref<512xi32, #tpu.memory_space<vmem>>, vector<16xi32>,
    tpu.vector_store %arg8[%swap3A_169], %add3A_168 {strides = array<i32>} : memref<512xi32, #tpu.memory_space<vmem>>, vector<16xi32>,
    %get3A_171 = arith.constant 208 : index
    %get3A_172 = tpu.vector_load %arg6[%get3A_171] {strides = array<i32>} : memref<512xi32, #tpu.memory_space<vmem>>, vector<16xi32>,
    %get3A_173 = arith.constant 208 : index
    %get3A_174 = tpu.vector_load %arg7[%get3A_173] {strides = array<i32>} : memref<512xi32, #tpu.memory_space<vmem>>, vector<16xi32>,
    %mul3A_175 = arith.constant 129 : i32
    %mul3A_176 = vector.broadcast %mul3A_175 : i32 to vector<16xi32>
    %mul3A_177 = arith.muli %get3A_172, %mul3A_176 : vector<16xi32>
    %add3A_178 = arith.addi %mul3A_177, %get3A_174 : vector<16xi32>
    %swap3A_179 = arith.constant 208 : index
    %swap3A_180 = tpu.vector_load %arg8[%swap3A_179] {strides = array<i32>} : memref<512xi32, #tpu.memory_space<vmem>>, vector<16xi32>,
    tpu.vector_store %arg8[%swap3A_179], %add3A_178 {strides = array<i32>} : memref<512xi32, #tpu.memory_space<vmem>>, vector<16xi32>,
    %get3A_181 = arith.constant 224 : index
    %get3A_182 = tpu.vector_load %arg6[%get3A_181] {strides = array<i32>} : memref<512xi32, #tpu.memory_space<vmem>>, vector<16xi32>,
    %get3A_183 = arith.constant 224 : index
    %get3A_184 = tpu.vector_load %arg7[%get3A_183] {strides = array<i32>} : memref<512xi32, #tpu.memory_space<vmem>>, vector<16xi32>,
    %mul3A_185 = arith.constant 129 : i32
    %mul3A_186 = vector.broadcast %mul3A_185 : i32 to vector<16xi32>
    %mul3A_187 = arith.muli %get3A_182, %mul3A_186 : vector<16xi32>
    %add3A_188 = arith.addi %mul3A_187, %get3A_184 : vector<16xi32>
    %swap3A_189 = arith.constant 224 : index
    %swap3A_190 = tpu.vector_load %arg8[%swap3A_189] {strides = array<i32>} : memref<512xi32, #tpu.memory_space<vmem>>, vector<16xi32>,
    tpu.vector_store %arg8[%swap3A_189], %add3A_188 {strides = array<i32>} : memref<512xi32, #tpu.memory_space<vmem>>, vector<16xi32>,
    %get3A_191 = arith.constant 240 : index
    %get3A_192 = tpu.vector_load %arg6[%get3A_191] {strides = array<i32>} : memref<512xi32, #tpu.memory_space<vmem>>, vector<16xi32>,
    %get3A_193 = arith.constant 240 : index
    %get3A_194 = tpu.vector_load %arg7[%get3A_193] {strides = array<i32>} : memref<512xi32, #tpu.memory_space<vmem>>, vector<16xi32>,
    %mul3A_195 = arith.constant 129 : i32
    %mul3A_196 = vector.broadcast %mul3A_195 : i32 to vector<16xi32>
    %mul3A_197 = arith.muli %get3A_192, %mul3A_196 : vector<16xi32>
    %add3A_198 = arith.addi %mul3A_197, %get3A_194 : vector<16xi32>
    %swap3A_199 = arith.constant 240 : index
    %swap3A_200 = tpu.vector_load %arg8[%swap3A_199] {strides = array<i32>} : memref<512xi32, #tpu.memory_space<vmem>>, vector<16xi32>,
    tpu.vector_store %arg8[%swap3A_199], %add3A_198 {strides = array<i32>} : memref<512xi32, #tpu.memory_space<vmem>>, vector<16xi32>,
    %get3A_201 = arith.constant 256 : index
    %get3A_202 = tpu.vector_load %arg6[%get3A_201] {strides = array<i32>} : memref<512xi32, #tpu.memory_space<vmem>>, vector<16xi32>,
    %get3A_203 = arith.constant 256 : index
    %get3A_204 = tpu.vector_load %arg7[%get3A_203] {strides = array<i32>} : memref<512xi32, #tpu.memory_space<vmem>>, vector<16xi32>,
    %mul3A_205 = arith.constant 129 : i32
    %mul3A_206 = vector.broadcast %mul3A_205 : i32 to vector<16xi32>
    %mul3A_207 = arith.muli %get3A_202, %mul3A_206 : vector<16xi32>
    %add3A_208 = arith.addi %mul3A_207, %get3A_204 : vector<16xi32>
    %swap3A_209 = arith.constant 256 : index
    %swap3A_210 = tpu.vector_load %arg8[%swap3A_209] {strides = array<i32>} : memref<512xi32, #tpu.memory_space<vmem>>, vector<16xi32>,
    tpu.vector_store %arg8[%swap3A_209], %add3A_208 {strides = array<i32>} : memref<512xi32, #tpu.memory_space<vmem>>, vector<16xi32>,
    %get3A_211 = arith.constant 272 : index
    %get3A_212 = tpu.vector_load %arg6[%get3A_211] {strides = array<i32>} : memref<512xi32, #tpu.memory_space<vmem>>, vector<16xi32>,
    %get3A_213 = arith.constant 272 : index
    %get3A_214 = tpu.vector_load %arg7[%get3A_213] {strides = array<i32>} : memref<512xi32, #tpu.memory_space<vmem>>, vector<16xi32>,
    %mul3A_215 = arith.constant 129 : i32
    %mul3A_216 = vector.broadcast %mul3A_215 : i32 to vector<16xi32>
    %mul3A_217 = arith.muli %get3A_212, %mul3A_216 : vector<16xi32>
    %add3A_218 = arith.addi %mul3A_217, %get3A_214 : vector<16xi32>
    %swap3A_219 = arith.constant 272 : index
    %swap3A_220 = tpu.vector_load %arg8[%swap3A_219] {strides = array<i32>} : memref<512xi32, #tpu.memory_space<vmem>>, vector<16xi32>,
    tpu.vector_store %arg8[%swap3A_219], %add3A_218 {strides = array<i32>} : memref<512xi32, #tpu.memory_space<vmem>>, vector<16xi32>,
    %get3A_221 = arith.constant 288 : index
    %get3A_222 = tpu.vector_load %arg6[%get3A_221] {strides = array<i32>} : memref<512xi32, #tpu.memory_space<vmem>>, vector<16xi32>,
    %get3A_223 = arith.constant 288 : index
    %get3A_224 = tpu.vector_load %arg7[%get3A_223] {strides = array<i32>} : memref<512xi32, #tpu.memory_space<vmem>>, vector<16xi32>,
    %mul3A_225 = arith.constant 129 : i32
    %mul3A_226 = vector.broadcast %mul3A_225 : i32 to vector<16xi32>
    %mul3A_227 = arith.muli %get3A_222, %mul3A_226 : vector<16xi32>
    %add3A_228 = arith.addi %mul3A_227, %get3A_224 : vector<16xi32>
    %swap3A_229 = arith.constant 288 : index
    %swap3A_230 = tpu.vector_load %arg8[%swap3A_229] {strides = array<i32>} : memref<512xi32, #tpu.memory_space<vmem>>, vector<16xi32>,
    tpu.vector_store %arg8[%swap3A_229], %add3A_228 {strides = array<i32>} : memref<512xi32, #tpu.memory_space<vmem>>, vector<16xi32>,
    %get3A_231 = arith.constant 304 : index
    %get3A_232 = tpu.vector_load %arg6[%get3A_231] {strides = array<i32>} : memref<512xi32, #tpu.memory_space<vmem>>, vector<16xi32>,
    %get3A_233 = arith.constant 304 : index
    %get3A_234 = tpu.vector_load %arg7[%get3A_233] {strides = array<i32>} : memref<512xi32, #tpu.memory_space<vmem>>, vector<16xi32>,
    %mul3A_235 = arith.constant 129 : i32
    %mul3A_236 = vector.broadcast %mul3A_235 : i32 to vector<16xi32>
    %mul3A_237 = arith.muli %get3A_232, %mul3A_236 : vector<16xi32>
    %add3A_238 = arith.addi %mul3A_237, %get3A_234 : vector<16xi32>
    %swap3A_239 = arith.constant 304 : index
    %swap3A_240 = tpu.vector_load %arg8[%swap3A_239] {strides = array<i32>} : memref<512xi32, #tpu.memory_space<vmem>>, vector<16xi32>,
    tpu.vector_store %arg8[%swap3A_239], %add3A_238 {strides = array<i32>} : memref<512xi32, #tpu.memory_space<vmem>>, vector<16xi32>,
    %get3A_241 = arith.constant 320 : index
    %get3A_242 = tpu.vector_load %arg6[%get3A_241] {strides = array<i32>} : memref<512xi32, #tpu.memory_space<vmem>>, vector<16xi32>,
    %get3A_243 = arith.constant 320 : index
    %get3A_244 = tpu.vector_load %arg7[%get3A_243] {strides = array<i32>} : memref<512xi32, #tpu.memory_space<vmem>>, vector<16xi32>,
    %mul3A_245 = arith.constant 129 : i32
    %mul3A_246 = vector.broadcast %mul3A_245 : i32 to vector<16xi32>
    %mul3A_247 = arith.muli %get3A_242, %mul3A_246 : vector<16xi32>
    %add3A_248 = arith.addi %mul3A_247, %get3A_244 : vector<16xi32>
    %swap3A_249 = arith.constant 320 : index
    %swap3A_250 = tpu.vector_load %arg8[%swap3A_249] {strides = array<i32>} : memref<512xi32, #tpu.memory_space<vmem>>, vector<16xi32>,
    tpu.vector_store %arg8[%swap3A_249], %add3A_248 {strides = array<i32>} : memref<512xi32, #tpu.memory_space<vmem>>, vector<16xi32>,
    %get3A_251 = arith.constant 336 : index
    %get3A_252 = tpu.vector_load %arg6[%get3A_251] {strides = array<i32>} : memref<512xi32, #tpu.memory_space<vmem>>, vector<16xi32>,
    %get3A_253 = arith.constant 336 : index
    %get3A_254 = tpu.vector_load %arg7[%get3A_253] {strides = array<i32>} : memref<512xi32, #tpu.memory_space<vmem>>, vector<16xi32>,
    %mul3A_255 = arith.constant 129 : i32
    %mul3A_256 = vector.broadcast %mul3A_255 : i32 to vector<16xi32>
    %mul3A_257 = arith.muli %get3A_252, %mul3A_256 : vector<16xi32>
    %add3A_258 = arith.addi %mul3A_257, %get3A_254 : vector<16xi32>
    %swap3A_259 = arith.constant 336 : index
    %swap3A_260 = tpu.vector_load %arg8[%swap3A_259] {strides = array<i32>} : memref<512xi32, #tpu.memory_space<vmem>>, vector<16xi32>,
    tpu.vector_store %arg8[%swap3A_259], %add3A_258 {strides = array<i32>} : memref<512xi32, #tpu.memory_space<vmem>>, vector<16xi32>,
    %get3A_261 = arith.constant 352 : index
    %get3A_262 = tpu.vector_load %arg6[%get3A_261] {strides = array<i32>} : memref<512xi32, #tpu.memory_space<vmem>>, vector<16xi32>,
    %get3A_263 = arith.constant 352 : index
    %get3A_264 = tpu.vector_load %arg7[%get3A_263] {strides = array<i32>} : memref<512xi32, #tpu.memory_space<vmem>>, vector<16xi32>,
    %mul3A_265 = arith.constant 129 : i32
    %mul3A_266 = vector.broadcast %mul3A_265 : i32 to vector<16xi32>
    %mul3A_267 = arith.muli %get3A_262, %mul3A_266 : vector<16xi32>
    %add3A_268 = arith.addi %mul3A_267, %get3A_264 : vector<16xi32>
    %swap3A_269 = arith.constant 352 : index
    %swap3A_270 = tpu.vector_load %arg8[%swap3A_269] {strides = array<i32>} : memref<512xi32, #tpu.memory_space<vmem>>, vector<16xi32>,
    tpu.vector_store %arg8[%swap3A_269], %add3A_268 {strides = array<i32>} : memref<512xi32, #tpu.memory_space<vmem>>, vector<16xi32>,
    %get3A_271 = arith.constant 368 : index
    %get3A_272 = tpu.vector_load %arg6[%get3A_271] {strides = array<i32>} : memref<512xi32, #tpu.memory_space<vmem>>, vector<16xi32>,
    %get3A_273 = arith.constant 368 : index
    %get3A_274 = tpu.vector_load %arg7[%get3A_273] {strides = array<i32>} : memref<512xi32, #tpu.memory_space<vmem>>, vector<16xi32>,
    %mul3A_275 = arith.constant 129 : i32
    %mul3A_276 = vector.broadcast %mul3A_275 : i32 to vector<16xi32>
    %mul3A_277 = arith.muli %get3A_272, %mul3A_276 : vector<16xi32>
    %add3A_278 = arith.addi %mul3A_277, %get3A_274 : vector<16xi32>
    %swap3A_279 = arith.constant 368 : index
    %swap3A_280 = tpu.vector_load %arg8[%swap3A_279] {strides = array<i32>} : memref<512xi32, #tpu.memory_space<vmem>>, vector<16xi32>,
    tpu.vector_store %arg8[%swap3A_279], %add3A_278 {strides = array<i32>} : memref<512xi32, #tpu.memory_space<vmem>>, vector<16xi32>,
    %get3A_281 = arith.constant 384 : index
    %get3A_282 = tpu.vector_load %arg6[%get3A_281] {strides = array<i32>} : memref<512xi32, #tpu.memory_space<vmem>>, vector<16xi32>,
    %get3A_283 = arith.constant 384 : index
    %get3A_284 = tpu.vector_load %arg7[%get3A_283] {strides = array<i32>} : memref<512xi32, #tpu.memory_space<vmem>>, vector<16xi32>,
    %mul3A_285 = arith.constant 129 : i32
    %mul3A_286 = vector.broadcast %mul3A_285 : i32 to vector<16xi32>
    %mul3A_287 = arith.muli %get3A_282, %mul3A_286 : vector<16xi32>
    %add3A_288 = arith.addi %mul3A_287, %get3A_284 : vector<16xi32>
    %swap3A_289 = arith.constant 384 : index
    %swap3A_290 = tpu.vector_load %arg8[%swap3A_289] {strides = array<i32>} : memref<512xi32, #tpu.memory_space<vmem>>, vector<16xi32>,
    tpu.vector_store %arg8[%swap3A_289], %add3A_288 {strides = array<i32>} : memref<512xi32, #tpu.memory_space<vmem>>, vector<16xi32>,
    %get3A_291 = arith.constant 400 : index
    %get3A_292 = tpu.vector_load %arg6[%get3A_291] {strides = array<i32>} : memref<512xi32, #tpu.memory_space<vmem>>, vector<16xi32>,
    %get3A_293 = arith.constant 400 : index
    %get3A_294 = tpu.vector_load %arg7[%get3A_293] {strides = array<i32>} : memref<512xi32, #tpu.memory_space<vmem>>, vector<16xi32>,
    %mul3A_295 = arith.constant 129 : i32
    %mul3A_296 = vector.broadcast %mul3A_295 : i32 to vector<16xi32>
    %mul3A_297 = arith.muli %get3A_292, %mul3A_296 : vector<16xi32>
    %add3A_298 = arith.addi %mul3A_297, %get3A_294 : vector<16xi32>
    %swap3A_299 = arith.constant 400 : index
    %swap3A_300 = tpu.vector_load %arg8[%swap3A_299] {strides = array<i32>} : memref<512xi32, #tpu.memory_space<vmem>>, vector<16xi32>,
    tpu.vector_store %arg8[%swap3A_299], %add3A_298 {strides = array<i32>} : memref<512xi32, #tpu.memory_space<vmem>>, vector<16xi32>,
    %get3A_301 = arith.constant 416 : index
    %get3A_302 = tpu.vector_load %arg6[%get3A_301] {strides = array<i32>} : memref<512xi32, #tpu.memory_space<vmem>>, vector<16xi32>,
    %get3A_303 = arith.constant 416 : index
    %get3A_304 = tpu.vector_load %arg7[%get3A_303] {strides = array<i32>} : memref<512xi32, #tpu.memory_space<vmem>>, vector<16xi32>,
    %mul3A_305 = arith.constant 129 : i32
    %mul3A_306 = vector.broadcast %mul3A_305 : i32 to vector<16xi32>
    %mul3A_307 = arith.muli %get3A_302, %mul3A_306 : vector<16xi32>
    %add3A_308 = arith.addi %mul3A_307, %get3A_304 : vector<16xi32>
    %swap3A_309 = arith.constant 416 : index
    %swap3A_310 = tpu.vector_load %arg8[%swap3A_309] {strides = array<i32>} : memref<512xi32, #tpu.memory_space<vmem>>, vector<16xi32>,
    tpu.vector_store %arg8[%swap3A_309], %add3A_308 {strides = array<i32>} : memref<512xi32, #tpu.memory_space<vmem>>, vector<16xi32>,
    %get3A_311 = arith.constant 432 : index
    %get3A_312 = tpu.vector_load %arg6[%get3A_311] {strides = array<i32>} : memref<512xi32, #tpu.memory_space<vmem>>, vector<16xi32>,
    %get3A_313 = arith.constant 432 : index
    %get3A_314 = tpu.vector_load %arg7[%get3A_313] {strides = array<i32>} : memref<512xi32, #tpu.memory_space<vmem>>, vector<16xi32>,
    %mul3A_315 = arith.constant 129 : i32
    %mul3A_316 = vector.broadcast %mul3A_315 : i32 to vector<16xi32>
    %mul3A_317 = arith.muli %get3A_312, %mul3A_316 : vector<16xi32>
    %add3A_318 = arith.addi %mul3A_317, %get3A_314 : vector<16xi32>
    %swap3A_319 = arith.constant 432 : index
    %swap3A_320 = tpu.vector_load %arg8[%swap3A_319] {strides = array<i32>} : memref<512xi32, #tpu.memory_space<vmem>>, vector<16xi32>,
    tpu.vector_store %arg8[%swap3A_319], %add3A_318 {strides = array<i32>} : memref<512xi32, #tpu.memory_space<vmem>>, vector<16xi32>,
    %get3A_321 = arith.constant 448 : index
    %get3A_322 = tpu.vector_load %arg6[%get3A_321] {strides = array<i32>} : memref<512xi32, #tpu.memory_space<vmem>>, vector<16xi32>,
    %get3A_323 = arith.constant 448 : index
    %get3A_324 = tpu.vector_load %arg7[%get3A_323] {strides = array<i32>} : memref<512xi32, #tpu.memory_space<vmem>>, vector<16xi32>,
    %mul3A_325 = arith.constant 129 : i32
    %mul3A_326 = vector.broadcast %mul3A_325 : i32 to vector<16xi32>
    %mul3A_327 = arith.muli %get3A_322, %mul3A_326 : vector<16xi32>
    %add3A_328 = arith.addi %mul3A_327, %get3A_324 : vector<16xi32>
    %swap3A_329 = arith.constant 448 : index
    %swap3A_330 = tpu.vector_load %arg8[%swap3A_329] {strides = array<i32>} : memref<512xi32, #tpu.memory_space<vmem>>, vector<16xi32>,
    tpu.vector_store %arg8[%swap3A_329], %add3A_328 {strides = array<i32>} : memref<512xi32, #tpu.memory_space<vmem>>, vector<16xi32>,
    %get3A_331 = arith.constant 464 : index
    %get3A_332 = tpu.vector_load %arg6[%get3A_331] {strides = array<i32>} : memref<512xi32, #tpu.memory_space<vmem>>, vector<16xi32>,
    %get3A_333 = arith.constant 464 : index
    %get3A_334 = tpu.vector_load %arg7[%get3A_333] {strides = array<i32>} : memref<512xi32, #tpu.memory_space<vmem>>, vector<16xi32>,
    %mul3A_335 = arith.constant 129 : i32
    %mul3A_336 = vector.broadcast %mul3A_335 : i32 to vector<16xi32>
    %mul3A_337 = arith.muli %get3A_332, %mul3A_336 : vector<16xi32>
    %add3A_338 = arith.addi %mul3A_337, %get3A_334 : vector<16xi32>
    %swap3A_339 = arith.constant 464 : index
    %swap3A_340 = tpu.vector_load %arg8[%swap3A_339] {strides = array<i32>} : memref<512xi32, #tpu.memory_space<vmem>>, vector<16xi32>,
    tpu.vector_store %arg8[%swap3A_339], %add3A_338 {strides = array<i32>} : memref<512xi32, #tpu.memory_space<vmem>>, vector<16xi32>,
    %get3A_341 = arith.constant 480 : index
    %get3A_342 = tpu.vector_load %arg6[%get3A_341] {strides = array<i32>} : memref<512xi32, #tpu.memory_space<vmem>>, vector<16xi32>,
    %get3A_343 = arith.constant 480 : index
    %get3A_344 = tpu.vector_load %arg7[%get3A_343] {strides = array<i32>} : memref<512xi32, #tpu.memory_space<vmem>>, vector<16xi32>,
    %mul3A_345 = arith.constant 129 : i32
    %mul3A_346 = vector.broadcast %mul3A_345 : i32 to vector<16xi32>
    %mul3A_347 = arith.muli %get3A_342, %mul3A_346 : vector<16xi32>
    %add3A_348 = arith.addi %mul3A_347, %get3A_344 : vector<16xi32>
    %swap3A_349 = arith.constant 480 : index
    %swap3A_350 = tpu.vector_load %arg8[%swap3A_349] {strides = array<i32>} : memref<512xi32, #tpu.memory_space<vmem>>, vector<16xi32>,
    tpu.vector_store %arg8[%swap3A_349], %add3A_348 {strides = array<i32>} : memref<512xi32, #tpu.memory_space<vmem>>, vector<16xi32>,
    %get3A_351 = arith.constant 496 : index
    %get3A_352 = tpu.vector_load %arg6[%get3A_351] {strides = array<i32>} : memref<512xi32, #tpu.memory_space<vmem>>, vector<16xi32>,
    %get3A_353 = arith.constant 496 : index
    %get3A_354 = tpu.vector_load %arg7[%get3A_353] {strides = array<i32>} : memref<512xi32, #tpu.memory_space<vmem>>, vector<16xi32>,
    %mul3A_355 = arith.constant 129 : i32
    %mul3A_356 = vector.broadcast %mul3A_355 : i32 to vector<16xi32>
    %mul3A_357 = arith.muli %get3A_352, %mul3A_356 : vector<16xi32>
    %add3A_358 = arith.addi %mul3A_357, %get3A_354 : vector<16xi32>
    %swap3A_359 = arith.constant 496 : index
    %swap3A_360 = tpu.vector_load %arg8[%swap3A_359] {strides = array<i32>} : memref<512xi32, #tpu.memory_space<vmem>>, vector<16xi32>,
    tpu.vector_store %arg8[%swap3A_359], %add3A_358 {strides = array<i32>} : memref<512xi32, #tpu.memory_space<vmem>>, vector<16xi32>,
    %eq3A_361 = arith.constant 0 : i32
    %eq3A_362 = arith.cmpi eq, %arg1, %eq3A_361 : i32
    %convert_element_type3A_363 = arith.extui %eq3A_362 : i1 to i32
    %cond3A_364 = arith.constant 0 : i32
    %cond3A_365 = arith.cmpi ne, %convert_element_type3A_363, %cond3A_364 : i32
    scf.if %cond3A_365 {
      tpu.wait_dma2 semaphore(%arg14 : memref<!tpu.dma_semaphore, #tpu.memory_space<semaphore_mem>>) src(%arg4 : memref<16641xf32, #tpu.memory_space<hbm>>) dst(%arg10 : memref<16641xf32, #tpu.memory_space<vmem_shared>>)
    } else {
    }
    %barrier3A = arith.constant 0 : index
    tpu.barrier barrier_id(%barrier3A)
    %dma_start3A_366 = arith.constant 0 : i32
    %dma_start3A_367 = arith.constant 0 : i32
    %dma_start3A_368 = tpu.memref_slice %arg9[%dma_start3A_367] : memref<512xf32, #tpu.memory_space<vmem>> -> memref<128xf32, #tpu.memory_space<vmem>>
    %dma_start3A_369 = arith.constant 0 : i32
    %dma_start3A_370 = tpu.memref_slice %arg8[%dma_start3A_369] : memref<512xi32, #tpu.memory_space<vmem>> -> memref<128xi32, #tpu.memory_space<vmem>>
    %dma_start3A_371 = arith.constant 0 : i32
    %dma_start3A_372 = tpu.memref_slice %arg10[%dma_start3A_371] : memref<16641xf32, #tpu.memory_space<vmem_shared>> -> memref<16641xf32, #tpu.memory_space<vmem_shared>>
    %dma_start3A_373 = tpu.memref_slice %arg12[%dma_start3A_366] : memref<4x!tpu.dma_semaphore, #tpu.memory_space<semaphore_mem>> -> memref<1x!tpu.dma_semaphore, #tpu.memory_space<semaphore_mem>>
    %dma_start3A_374 = tpu.memref_squeeze %dma_start3A_373 : memref<1x!tpu.dma_semaphore, #tpu.memory_space<semaphore_mem>> -> memref<!tpu.dma_semaphore, #tpu.memory_space<semaphore_mem>>
    tpu.enqueue_indirect_dma source(%dma_start3A_372 : memref<16641xf32, #tpu.memory_space<vmem_shared>>) target(%dma_start3A_368 : memref<128xf32, #tpu.memory_space<vmem>>) offsets(%dma_start3A_370 : memref<128xi32, #tpu.memory_space<vmem>>) semaphore(%dma_start3A_374 : memref<!tpu.dma_semaphore, #tpu.memory_space<semaphore_mem>>)
    %dma_start3A_375 = arith.constant 1 : i32
    %dma_start3A_376 = arith.constant 128 : i32
    %dma_start3A_377 = tpu.memref_slice %arg9[%dma_start3A_376] : memref<512xf32, #tpu.memory_space<vmem>> -> memref<128xf32, #tpu.memory_space<vmem>>
    %dma_start3A_378 = arith.constant 128 : i32
    %dma_start3A_379 = tpu.memref_slice %arg8[%dma_start3A_378] : memref<512xi32, #tpu.memory_space<vmem>> -> memref<128xi32, #tpu.memory_space<vmem>>
    %dma_start3A_380 = arith.constant 0 : i32
    %dma_start3A_381 = tpu.memref_slice %arg10[%dma_start3A_380] : memref<16641xf32, #tpu.memory_space<vmem_shared>> -> memref<16641xf32, #tpu.memory_space<vmem_shared>>
    %dma_start3A_382 = tpu.memref_slice %arg12[%dma_start3A_375] : memref<4x!tpu.dma_semaphore, #tpu.memory_space<semaphore_mem>> -> memref<1x!tpu.dma_semaphore, #tpu.memory_space<semaphore_mem>>
    %dma_start3A_383 = tpu.memref_squeeze %dma_start3A_382 : memref<1x!tpu.dma_semaphore, #tpu.memory_space<semaphore_mem>> -> memref<!tpu.dma_semaphore, #tpu.memory_space<semaphore_mem>>
    tpu.enqueue_indirect_dma source(%dma_start3A_381 : memref<16641xf32, #tpu.memory_space<vmem_shared>>) target(%dma_start3A_377 : memref<128xf32, #tpu.memory_space<vmem>>) offsets(%dma_start3A_379 : memref<128xi32, #tpu.memory_space<vmem>>) semaphore(%dma_start3A_383 : memref<!tpu.dma_semaphore, #tpu.memory_space<semaphore_mem>>)
    %dma_start3A_384 = arith.constant 2 : i32
    %dma_start3A_385 = arith.constant 256 : i32
    %dma_start3A_386 = tpu.memref_slice %arg9[%dma_start3A_385] : memref<512xf32, #tpu.memory_space<vmem>> -> memref<128xf32, #tpu.memory_space<vmem>>
    %dma_start3A_387 = arith.constant 256 : i32
    %dma_start3A_388 = tpu.memref_slice %arg8[%dma_start3A_387] : memref<512xi32, #tpu.memory_space<vmem>> -> memref<128xi32, #tpu.memory_space<vmem>>
    %dma_start3A_389 = arith.constant 0 : i32
    %dma_start3A_390 = tpu.memref_slice %arg10[%dma_start3A_389] : memref<16641xf32, #tpu.memory_space<vmem_shared>> -> memref<16641xf32, #tpu.memory_space<vmem_shared>>
    %dma_start3A_391 = tpu.memref_slice %arg12[%dma_start3A_384] : memref<4x!tpu.dma_semaphore, #tpu.memory_space<semaphore_mem>> -> memref<1x!tpu.dma_semaphore, #tpu.memory_space<semaphore_mem>>
    %dma_start3A_392 = tpu.memref_squeeze %dma_start3A_391 : memref<1x!tpu.dma_semaphore, #tpu.memory_space<semaphore_mem>> -> memref<!tpu.dma_semaphore, #tpu.memory_space<semaphore_mem>>
    tpu.enqueue_indirect_dma source(%dma_start3A_390 : memref<16641xf32, #tpu.memory_space<vmem_shared>>) target(%dma_start3A_386 : memref<128xf32, #tpu.memory_space<vmem>>) offsets(%dma_start3A_388 : memref<128xi32, #tpu.memory_space<vmem>>) semaphore(%dma_start3A_392 : memref<!tpu.dma_semaphore, #tpu.memory_space<semaphore_mem>>)
    %dma_start3A_393 = arith.constant 3 : i32
    %dma_start3A_394 = arith.constant 384 : i32
    %dma_start3A_395 = tpu.memref_slice %arg9[%dma_start3A_394] : memref<512xf32, #tpu.memory_space<vmem>> -> memref<128xf32, #tpu.memory_space<vmem>>
    %dma_start3A_396 = arith.constant 384 : i32
    %dma_start3A_397 = tpu.memref_slice %arg8[%dma_start3A_396] : memref<512xi32, #tpu.memory_space<vmem>> -> memref<128xi32, #tpu.memory_space<vmem>>
    %dma_start3A_398 = arith.constant 0 : i32
    %dma_start3A_399 = tpu.memref_slice %arg10[%dma_start3A_398] : memref<16641xf32, #tpu.memory_space<vmem_shared>> -> memref<16641xf32, #tpu.memory_space<vmem_shared>>
    %dma_start3A_400 = tpu.memref_slice %arg12[%dma_start3A_393] : memref<4x!tpu.dma_semaphore, #tpu.memory_space<semaphore_mem>> -> memref<1x!tpu.dma_semaphore, #tpu.memory_space<semaphore_mem>>
    %dma_start3A_401 = tpu.memref_squeeze %dma_start3A_400 : memref<1x!tpu.dma_semaphore, #tpu.memory_space<semaphore_mem>> -> memref<!tpu.dma_semaphore, #tpu.memory_space<semaphore_mem>>
    tpu.enqueue_indirect_dma source(%dma_start3A_399 : memref<16641xf32, #tpu.memory_space<vmem_shared>>) target(%dma_start3A_395 : memref<128xf32, #tpu.memory_space<vmem>>) offsets(%dma_start3A_397 : memref<128xi32, #tpu.memory_space<vmem>>) semaphore(%dma_start3A_401 : memref<!tpu.dma_semaphore, #tpu.memory_space<semaphore_mem>>)
    %dma_wait3A_402 = arith.constant 0 : i32
    %dma_wait3A_403 = arith.constant 0 : i32
    %dma_wait3A_404 = tpu.memref_slice %arg9[%dma_wait3A_403] : memref<512xf32, #tpu.memory_space<vmem>> -> memref<128xf32, #tpu.memory_space<vmem>>
    %dma_wait3A_405 = arith.constant 0 : i32
    %dma_wait3A_406 = tpu.memref_slice %arg8[%dma_wait3A_405] : memref<512xi32, #tpu.memory_space<vmem>> -> memref<128xi32, #tpu.memory_space<vmem>>
    %dma_wait3A_407 = arith.constant 0 : i32
    %dma_wait3A_408 = tpu.memref_slice %arg10[%dma_wait3A_407] : memref<16641xf32, #tpu.memory_space<vmem_shared>> -> memref<16641xf32, #tpu.memory_space<vmem_shared>>
    %dma_wait3A_409 = tpu.memref_slice %arg12[%dma_wait3A_402] : memref<4x!tpu.dma_semaphore, #tpu.memory_space<semaphore_mem>> -> memref<1x!tpu.dma_semaphore, #tpu.memory_space<semaphore_mem>>
    %dma_wait3A_410 = tpu.memref_squeeze %dma_wait3A_409 : memref<1x!tpu.dma_semaphore, #tpu.memory_space<semaphore_mem>> -> memref<!tpu.dma_semaphore, #tpu.memory_space<semaphore_mem>>
    tpu.wait_indirect_dma semaphore(%dma_wait3A_410 : memref<!tpu.dma_semaphore, #tpu.memory_space<semaphore_mem>>) src(%dma_wait3A_408 : memref<16641xf32, #tpu.memory_space<vmem_shared>>) dst(%dma_wait3A_404 : memref<128xf32, #tpu.memory_space<vmem>>)
    %add3A_411 = arith.constant 0 : i32
    %add3A_412 = arith.addi %mul3A_2, %add3A_411 : i32
    %dma_start3A_413 = arith.constant 0 : i32
    %dma_start3A_414 = arith.constant 0 : i32
    %dma_start3A_415 = tpu.memref_slice %arg9[%dma_start3A_414] : memref<512xf32, #tpu.memory_space<vmem>> -> memref<128xf32, #tpu.memory_space<vmem>>
    %dma_start3A_416 = tpu.memref_slice %arg5[%add3A_412] : memref<16384xf32, #tpu.memory_space<hbm>> -> memref<128xf32, #tpu.memory_space<hbm>>
    %dma_start3A_417 = tpu.memref_slice %arg13[%dma_start3A_413] : memref<4x!tpu.dma_semaphore, #tpu.memory_space<semaphore_mem>> -> memref<1x!tpu.dma_semaphore, #tpu.memory_space<semaphore_mem>>
    %dma_start3A_418 = tpu.memref_squeeze %dma_start3A_417 : memref<1x!tpu.dma_semaphore, #tpu.memory_space<semaphore_mem>> -> memref<!tpu.dma_semaphore, #tpu.memory_space<semaphore_mem>>
    %dma_start3A_419 = tpu.memref_slice %arg5[%add3A_412] : memref<16384xf32, #tpu.memory_space<hbm>> -> memref<128xf32, #tpu.memory_space<hbm>>
    %dma_start3A_420 = arith.constant 0 : i32
    %dma_start3A_421 = tpu.memref_slice %arg9[%dma_start3A_420] : memref<512xf32, #tpu.memory_space<vmem>> -> memref<128xf32, #tpu.memory_space<vmem>>
    tpu.enqueue_dma source(%dma_start3A_421 : memref<128xf32, #tpu.memory_space<vmem>>) target(%dma_start3A_419 : memref<128xf32, #tpu.memory_space<hbm>>) target_semaphore(%dma_start3A_418 : memref<!tpu.dma_semaphore, #tpu.memory_space<semaphore_mem>>)
    %dma_wait3A_422 = arith.constant 1 : i32
    %dma_wait3A_423 = arith.constant 128 : i32
    %dma_wait3A_424 = tpu.memref_slice %arg9[%dma_wait3A_423] : memref<512xf32, #tpu.memory_space<vmem>> -> memref<128xf32, #tpu.memory_space<vmem>>
    %dma_wait3A_425 = arith.constant 128 : i32
    %dma_wait3A_426 = tpu.memref_slice %arg8[%dma_wait3A_425] : memref<512xi32, #tpu.memory_space<vmem>> -> memref<128xi32, #tpu.memory_space<vmem>>
    %dma_wait3A_427 = arith.constant 0 : i32
    %dma_wait3A_428 = tpu.memref_slice %arg10[%dma_wait3A_427] : memref<16641xf32, #tpu.memory_space<vmem_shared>> -> memref<16641xf32, #tpu.memory_space<vmem_shared>>
    %dma_wait3A_429 = tpu.memref_slice %arg12[%dma_wait3A_422] : memref<4x!tpu.dma_semaphore, #tpu.memory_space<semaphore_mem>> -> memref<1x!tpu.dma_semaphore, #tpu.memory_space<semaphore_mem>>
    %dma_wait3A_430 = tpu.memref_squeeze %dma_wait3A_429 : memref<1x!tpu.dma_semaphore, #tpu.memory_space<semaphore_mem>> -> memref<!tpu.dma_semaphore, #tpu.memory_space<semaphore_mem>>
    tpu.wait_indirect_dma semaphore(%dma_wait3A_430 : memref<!tpu.dma_semaphore, #tpu.memory_space<semaphore_mem>>) src(%dma_wait3A_428 : memref<16641xf32, #tpu.memory_space<vmem_shared>>) dst(%dma_wait3A_424 : memref<128xf32, #tpu.memory_space<vmem>>)
    %add3A_431 = arith.constant 128 : i32
    %add3A_432 = arith.addi %mul3A_2, %add3A_431 : i32
    %dma_start3A_433 = arith.constant 1 : i32
    %dma_start3A_434 = arith.constant 128 : i32
    %dma_start3A_435 = tpu.memref_slice %arg9[%dma_start3A_434] : memref<512xf32, #tpu.memory_space<vmem>> -> memref<128xf32, #tpu.memory_space<vmem>>
    %dma_start3A_436 = tpu.memref_slice %arg5[%add3A_432] : memref<16384xf32, #tpu.memory_space<hbm>> -> memref<128xf32, #tpu.memory_space<hbm>>
    %dma_start3A_437 = tpu.memref_slice %arg13[%dma_start3A_433] : memref<4x!tpu.dma_semaphore, #tpu.memory_space<semaphore_mem>> -> memref<1x!tpu.dma_semaphore, #tpu.memory_space<semaphore_mem>>
    %dma_start3A_438 = tpu.memref_squeeze %dma_start3A_437 : memref<1x!tpu.dma_semaphore, #tpu.memory_space<semaphore_mem>> -> memref<!tpu.dma_semaphore, #tpu.memory_space<semaphore_mem>>
    %dma_start3A_439 = tpu.memref_slice %arg5[%add3A_432] : memref<16384xf32, #tpu.memory_space<hbm>> -> memref<128xf32, #tpu.memory_space<hbm>>
    %dma_start3A_440 = arith.constant 128 : i32
    %dma_start3A_441 = tpu.memref_slice %arg9[%dma_start3A_440] : memref<512xf32, #tpu.memory_space<vmem>> -> memref<128xf32, #tpu.memory_space<vmem>>
    tpu.enqueue_dma source(%dma_start3A_441 : memref<128xf32, #tpu.memory_space<vmem>>) target(%dma_start3A_439 : memref<128xf32, #tpu.memory_space<hbm>>) target_semaphore(%dma_start3A_438 : memref<!tpu.dma_semaphore, #tpu.memory_space<semaphore_mem>>)
    %dma_wait3A_442 = arith.constant 2 : i32
    %dma_wait3A_443 = arith.constant 256 : i32
    %dma_wait3A_444 = tpu.memref_slice %arg9[%dma_wait3A_443] : memref<512xf32, #tpu.memory_space<vmem>> -> memref<128xf32, #tpu.memory_space<vmem>>
    %dma_wait3A_445 = arith.constant 256 : i32
    %dma_wait3A_446 = tpu.memref_slice %arg8[%dma_wait3A_445] : memref<512xi32, #tpu.memory_space<vmem>> -> memref<128xi32, #tpu.memory_space<vmem>>
    %dma_wait3A_447 = arith.constant 0 : i32
    %dma_wait3A_448 = tpu.memref_slice %arg10[%dma_wait3A_447] : memref<16641xf32, #tpu.memory_space<vmem_shared>> -> memref<16641xf32, #tpu.memory_space<vmem_shared>>
    %dma_wait3A_449 = tpu.memref_slice %arg12[%dma_wait3A_442] : memref<4x!tpu.dma_semaphore, #tpu.memory_space<semaphore_mem>> -> memref<1x!tpu.dma_semaphore, #tpu.memory_space<semaphore_mem>>
    %dma_wait3A_450 = tpu.memref_squeeze %dma_wait3A_449 : memref<1x!tpu.dma_semaphore, #tpu.memory_space<semaphore_mem>> -> memref<!tpu.dma_semaphore, #tpu.memory_space<semaphore_mem>>
    tpu.wait_indirect_dma semaphore(%dma_wait3A_450 : memref<!tpu.dma_semaphore, #tpu.memory_space<semaphore_mem>>) src(%dma_wait3A_448 : memref<16641xf32, #tpu.memory_space<vmem_shared>>) dst(%dma_wait3A_444 : memref<128xf32, #tpu.memory_space<vmem>>)
    %add3A_451 = arith.constant 256 : i32
    %add3A_452 = arith.addi %mul3A_2, %add3A_451 : i32
    %dma_start3A_453 = arith.constant 2 : i32
    %dma_start3A_454 = arith.constant 256 : i32
    %dma_start3A_455 = tpu.memref_slice %arg9[%dma_start3A_454] : memref<512xf32, #tpu.memory_space<vmem>> -> memref<128xf32, #tpu.memory_space<vmem>>
    %dma_start3A_456 = tpu.memref_slice %arg5[%add3A_452] : memref<16384xf32, #tpu.memory_space<hbm>> -> memref<128xf32, #tpu.memory_space<hbm>>
    %dma_start3A_457 = tpu.memref_slice %arg13[%dma_start3A_453] : memref<4x!tpu.dma_semaphore, #tpu.memory_space<semaphore_mem>> -> memref<1x!tpu.dma_semaphore, #tpu.memory_space<semaphore_mem>>
    %dma_start3A_458 = tpu.memref_squeeze %dma_start3A_457 : memref<1x!tpu.dma_semaphore, #tpu.memory_space<semaphore_mem>> -> memref<!tpu.dma_semaphore, #tpu.memory_space<semaphore_mem>>
    %dma_start3A_459 = tpu.memref_slice %arg5[%add3A_452] : memref<16384xf32, #tpu.memory_space<hbm>> -> memref<128xf32, #tpu.memory_space<hbm>>
    %dma_start3A_460 = arith.constant 256 : i32
    %dma_start3A_461 = tpu.memref_slice %arg9[%dma_start3A_460] : memref<512xf32, #tpu.memory_space<vmem>> -> memref<128xf32, #tpu.memory_space<vmem>>
    tpu.enqueue_dma source(%dma_start3A_461 : memref<128xf32, #tpu.memory_space<vmem>>) target(%dma_start3A_459 : memref<128xf32, #tpu.memory_space<hbm>>) target_semaphore(%dma_start3A_458 : memref<!tpu.dma_semaphore, #tpu.memory_space<semaphore_mem>>)
    %dma_wait3A_462 = arith.constant 3 : i32
    %dma_wait3A_463 = arith.constant 384 : i32
    %dma_wait3A_464 = tpu.memref_slice %arg9[%dma_wait3A_463] : memref<512xf32, #tpu.memory_space<vmem>> -> memref<128xf32, #tpu.memory_space<vmem>>
    %dma_wait3A_465 = arith.constant 384 : i32
    %dma_wait3A_466 = tpu.memref_slice %arg8[%dma_wait3A_465] : memref<512xi32, #tpu.memory_space<vmem>> -> memref<128xi32, #tpu.memory_space<vmem>>
    %dma_wait3A_467 = arith.constant 0 : i32
    %dma_wait3A_468 = tpu.memref_slice %arg10[%dma_wait3A_467] : memref<16641xf32, #tpu.memory_space<vmem_shared>> -> memref<16641xf32, #tpu.memory_space<vmem_shared>>
    %dma_wait3A_469 = tpu.memref_slice %arg12[%dma_wait3A_462] : memref<4x!tpu.dma_semaphore, #tpu.memory_space<semaphore_mem>> -> memref<1x!tpu.dma_semaphore, #tpu.memory_space<semaphore_mem>>
    %dma_wait3A_470 = tpu.memref_squeeze %dma_wait3A_469 : memref<1x!tpu.dma_semaphore, #tpu.memory_space<semaphore_mem>> -> memref<!tpu.dma_semaphore, #tpu.memory_space<semaphore_mem>>
    tpu.wait_indirect_dma semaphore(%dma_wait3A_470 : memref<!tpu.dma_semaphore, #tpu.memory_space<semaphore_mem>>) src(%dma_wait3A_468 : memref<16641xf32, #tpu.memory_space<vmem_shared>>) dst(%dma_wait3A_464 : memref<128xf32, #tpu.memory_space<vmem>>)
    %add3A_471 = arith.constant 384 : i32
    %add3A_472 = arith.addi %mul3A_2, %add3A_471 : i32
    %dma_start3A_473 = arith.constant 3 : i32
    %dma_start3A_474 = arith.constant 384 : i32
    %dma_start3A_475 = tpu.memref_slice %arg9[%dma_start3A_474] : memref<512xf32, #tpu.memory_space<vmem>> -> memref<128xf32, #tpu.memory_space<vmem>>
    %dma_start3A_476 = tpu.memref_slice %arg5[%add3A_472] : memref<16384xf32, #tpu.memory_space<hbm>> -> memref<128xf32, #tpu.memory_space<hbm>>
    %dma_start3A_477 = tpu.memref_slice %arg13[%dma_start3A_473] : memref<4x!tpu.dma_semaphore, #tpu.memory_space<semaphore_mem>> -> memref<1x!tpu.dma_semaphore, #tpu.memory_space<semaphore_mem>>
    %dma_start3A_478 = tpu.memref_squeeze %dma_start3A_477 : memref<1x!tpu.dma_semaphore, #tpu.memory_space<semaphore_mem>> -> memref<!tpu.dma_semaphore, #tpu.memory_space<semaphore_mem>>
    %dma_start3A_479 = tpu.memref_slice %arg5[%add3A_472] : memref<16384xf32, #tpu.memory_space<hbm>> -> memref<128xf32, #tpu.memory_space<hbm>>
    %dma_start3A_480 = arith.constant 384 : i32
    %dma_start3A_481 = tpu.memref_slice %arg9[%dma_start3A_480] : memref<512xf32, #tpu.memory_space<vmem>> -> memref<128xf32, #tpu.memory_space<vmem>>
    tpu.enqueue_dma source(%dma_start3A_481 : memref<128xf32, #tpu.memory_space<vmem>>) target(%dma_start3A_479 : memref<128xf32, #tpu.memory_space<hbm>>) target_semaphore(%dma_start3A_478 : memref<!tpu.dma_semaphore, #tpu.memory_space<semaphore_mem>>)
    %dma_wait3A_482 = arith.constant 0 : i32
    %dma_wait3A_483 = arith.constant 0 : i32
    %dma_wait3A_484 = tpu.memref_slice %arg9[%dma_wait3A_483] : memref<512xf32, #tpu.memory_space<vmem>> -> memref<128xf32, #tpu.memory_space<vmem>>
    %dma_wait3A_485 = tpu.memref_slice %arg5[%add3A_412] : memref<16384xf32, #tpu.memory_space<hbm>> -> memref<128xf32, #tpu.memory_space<hbm>>
    %dma_wait3A_486 = tpu.memref_slice %arg13[%dma_wait3A_482] : memref<4x!tpu.dma_semaphore, #tpu.memory_space<semaphore_mem>> -> memref<1x!tpu.dma_semaphore, #tpu.memory_space<semaphore_mem>>
    %dma_wait3A_487 = tpu.memref_squeeze %dma_wait3A_486 : memref<1x!tpu.dma_semaphore, #tpu.memory_space<semaphore_mem>> -> memref<!tpu.dma_semaphore, #tpu.memory_space<semaphore_mem>>
    %dma_wait3A_488 = tpu.memref_slice %arg5[%add3A_412] : memref<16384xf32, #tpu.memory_space<hbm>> -> memref<128xf32, #tpu.memory_space<hbm>>
    %dma_wait3A_489 = arith.constant 0 : i32
    %dma_wait3A_490 = tpu.memref_slice %arg9[%dma_wait3A_489] : memref<512xf32, #tpu.memory_space<vmem>> -> memref<128xf32, #tpu.memory_space<vmem>>
    tpu.wait_dma2 semaphore(%dma_wait3A_487 : memref<!tpu.dma_semaphore, #tpu.memory_space<semaphore_mem>>) src(%dma_wait3A_490 : memref<128xf32, #tpu.memory_space<vmem>>) dst(%dma_wait3A_488 : memref<128xf32, #tpu.memory_space<hbm>>)
    %dma_wait3A_491 = arith.constant 1 : i32
    %dma_wait3A_492 = arith.constant 128 : i32
    %dma_wait3A_493 = tpu.memref_slice %arg9[%dma_wait3A_492] : memref<512xf32, #tpu.memory_space<vmem>> -> memref<128xf32, #tpu.memory_space<vmem>>
    %dma_wait3A_494 = tpu.memref_slice %arg5[%add3A_432] : memref<16384xf32, #tpu.memory_space<hbm>> -> memref<128xf32, #tpu.memory_space<hbm>>
    %dma_wait3A_495 = tpu.memref_slice %arg13[%dma_wait3A_491] : memref<4x!tpu.dma_semaphore, #tpu.memory_space<semaphore_mem>> -> memref<1x!tpu.dma_semaphore, #tpu.memory_space<semaphore_mem>>
    %dma_wait3A_496 = tpu.memref_squeeze %dma_wait3A_495 : memref<1x!tpu.dma_semaphore, #tpu.memory_space<semaphore_mem>> -> memref<!tpu.dma_semaphore, #tpu.memory_space<semaphore_mem>>
    %dma_wait3A_497 = tpu.memref_slice %arg5[%add3A_432] : memref<16384xf32, #tpu.memory_space<hbm>> -> memref<128xf32, #tpu.memory_space<hbm>>
    %dma_wait3A_498 = arith.constant 128 : i32
    %dma_wait3A_499 = tpu.memref_slice %arg9[%dma_wait3A_498] : memref<512xf32, #tpu.memory_space<vmem>> -> memref<128xf32, #tpu.memory_space<vmem>>
    tpu.wait_dma2 semaphore(%dma_wait3A_496 : memref<!tpu.dma_semaphore, #tpu.memory_space<semaphore_mem>>) src(%dma_wait3A_499 : memref<128xf32, #tpu.memory_space<vmem>>) dst(%dma_wait3A_497 : memref<128xf32, #tpu.memory_space<hbm>>)
    %dma_wait3A_500 = arith.constant 2 : i32
    %dma_wait3A_501 = arith.constant 256 : i32
    %dma_wait3A_502 = tpu.memref_slice %arg9[%dma_wait3A_501] : memref<512xf32, #tpu.memory_space<vmem>> -> memref<128xf32, #tpu.memory_space<vmem>>
    %dma_wait3A_503 = tpu.memref_slice %arg5[%add3A_452] : memref<16384xf32, #tpu.memory_space<hbm>> -> memref<128xf32, #tpu.memory_space<hbm>>
    %dma_wait3A_504 = tpu.memref_slice %arg13[%dma_wait3A_500] : memref<4x!tpu.dma_semaphore, #tpu.memory_space<semaphore_mem>> -> memref<1x!tpu.dma_semaphore, #tpu.memory_space<semaphore_mem>>
    %dma_wait3A_505 = tpu.memref_squeeze %dma_wait3A_504 : memref<1x!tpu.dma_semaphore, #tpu.memory_space<semaphore_mem>> -> memref<!tpu.dma_semaphore, #tpu.memory_space<semaphore_mem>>
    %dma_wait3A_506 = tpu.memref_slice %arg5[%add3A_452] : memref<16384xf32, #tpu.memory_space<hbm>> -> memref<128xf32, #tpu.memory_space<hbm>>
    %dma_wait3A_507 = arith.constant 256 : i32
    %dma_wait3A_508 = tpu.memref_slice %arg9[%dma_wait3A_507] : memref<512xf32, #tpu.memory_space<vmem>> -> memref<128xf32, #tpu.memory_space<vmem>>
    tpu.wait_dma2 semaphore(%dma_wait3A_505 : memref<!tpu.dma_semaphore, #tpu.memory_space<semaphore_mem>>) src(%dma_wait3A_508 : memref<128xf32, #tpu.memory_space<vmem>>) dst(%dma_wait3A_506 : memref<128xf32, #tpu.memory_space<hbm>>)
    %dma_wait3A_509 = arith.constant 3 : i32
    %dma_wait3A_510 = arith.constant 384 : i32
    %dma_wait3A_511 = tpu.memref_slice %arg9[%dma_wait3A_510] : memref<512xf32, #tpu.memory_space<vmem>> -> memref<128xf32, #tpu.memory_space<vmem>>
    %dma_wait3A_512 = tpu.memref_slice %arg5[%add3A_472] : memref<16384xf32, #tpu.memory_space<hbm>> -> memref<128xf32, #tpu.memory_space<hbm>>
    %dma_wait3A_513 = tpu.memref_slice %arg13[%dma_wait3A_509] : memref<4x!tpu.dma_semaphore, #tpu.memory_space<semaphore_mem>> -> memref<1x!tpu.dma_semaphore, #tpu.memory_space<semaphore_mem>>
    %dma_wait3A_514 = tpu.memref_squeeze %dma_wait3A_513 : memref<1x!tpu.dma_semaphore, #tpu.memory_space<semaphore_mem>> -> memref<!tpu.dma_semaphore, #tpu.memory_space<semaphore_mem>>
    %dma_wait3A_515 = tpu.memref_slice %arg5[%add3A_472] : memref<16384xf32, #tpu.memory_space<hbm>> -> memref<128xf32, #tpu.memory_space<hbm>>
    %dma_wait3A_516 = arith.constant 384 : i32
    %dma_wait3A_517 = tpu.memref_slice %arg9[%dma_wait3A_516] : memref<512xf32, #tpu.memory_space<vmem>> -> memref<128xf32, #tpu.memory_space<vmem>>
    tpu.wait_dma2 semaphore(%dma_wait3A_514 : memref<!tpu.dma_semaphore, #tpu.memory_space<semaphore_mem>>) src(%dma_wait3A_517 : memref<128xf32, #tpu.memory_space<vmem>>) dst(%dma_wait3A_515 : memref<128xf32, #tpu.memory_space<hbm>>)
    return
  }
}

</mosaic_0001>

<sc_bundles>
// kernel: kernel.3.cloned.1.call-start
scs
__scs_entry_jumppad:
0x0: {  	(pc) =	sbr.rel $0x88, $3  }
0x1: {  	(tag) =	ssettag $0x0;
	lr =	simm.s32 $0x1  }
0x2: {  	[smem:$0x3F9E] =	sst lr;
	_ =	strace $0xD0000000  }
0x3: {  	_ = 	snop  }
0x4: {  	_ = 	snop  }
0x5: {  	_ = 	snop  }
0x6: {  	_ = 	snop  }
0x7: {  	_ = 	snop  }
__scs_overlays_trampoline_lowered:
0x8: {  	[smem:$0x3FAD] =	sst s0  }
0x9: {  	[smem:$0x3FAE] =	sst s1  }
0xa: {  	[smem:$0x3FAF] =	sst s2  }
0xb: {  	[smem:$0x3FB0] =	sst s3  }
0xc: {  	[smem:$0x3FB1] =	sst s4  }
0xd: {  	[smem:$0x3FB2] =	sst s5  }
0xe: {  	[smem:$0x3FB3] =	sst s6  }
0xf: {  	[smem:$0x3FB4] =	sst s7  }
0x10: {  	[smem:$0x3FB5] =	sst s8  }
0x11: {  	[smem:$0x3FB6] =	sst s9;
	s0 =	simm.s32 @!p0 $0x0  }
0x12: {  	s1 =	sld [smem:$0x3F9C];
	s0 =	simm.s32 @p0 $0x1  }
0x13: {  	[smem:$0x3FB7] =	sst s0;
	s0 =	simm.s32 @!p1 $0x0  }
0x14: {  	s2 =	sld [smem:$0x3F9B];
	s0 =	simm.s32 @p1 $0x1  }
0x15: {  	[smem:$0x3FB8] =	sst s0;
	s0 =	simm.s32 @!p2 $0x0  }
0x16: {  	s3 =	sld [smem:$0x3FDB];
	s0 =	simm.s32 @p2 $0x1  }
0x17: {  	s4 =	simm.s32 $0x1BF5;
	[smem:$0x3FBA] =	sst s0  }
0x18: {  	s0 =	sld [smem:$0x3F9D];
	_ =	swait.ge [sflag:s4], $0x0  }
0x19: {  	s7 =	sld [smem:$0x3F9E]  }
0x1a: {  	s8 =	sadd.s32 $0xFFFFE003, lr  }
0x1b: {  	s9 =	sadd.s32 $0xFFFFFEF7, lr;
	s5 =	simm.s32 $0xFFFFFFFF;
	p2 =	slt.u32 s8, $0xFFFFF086  }
0x1c: {  	p1 =	slt.u32 s9, $0xF7A;
	s5 =	simm.s32 @!p2 $0x0  }
0x1d: {  	s5 =	simm.s32 @p1 $0x1;
	p0 =	seq.s32 s7, s2  }
0x1e: {  	s7 =	smul.u32 @!p0 $0xF7A, s2;
	p2 =	seq.s32 @!p0 s5, $0x0  }
0x1f: {  	s9 =	smul.u32 $0xF7A, s1;
	s8 =	simm.s32 @!p0 $0x1BF5;
	p2 =	por !p2, p0  }
0x20: {  	[sflag:s8] =	ssyncset.s32 @!p0 $0xFFFFF086;
	s6 =	sadd.s32 @!p0 s3, s7;
	s7 =	simm.s32 @!p0 $0x108  }
0x21: {  	s3 =	sadd.s32 s3, s9;
	s6 =	sadd.s32 @!p0 $0x88, s6;
	s7 =	simm.s32 @p2 $0x1082  }
0x22: {  	[simem:s7], [sflag:s8] =	dma.local @!p0 [hbm:s6], $0xF7A  }
0x23: {  	s9 =	sor.u32 $0xD0000000, s2;
	s6 =	simm.s32 $0x108;
	_ =	swait.ge @!p0 [sflag:s8], $0x0  }
0x24: {  	s3 =	sadd.s32 $0x88, s3;
	s6 =	simm.s32 @!p1 $0x1082;
	[sflag:s4] =	ssyncset.s32 $0xFFFFF086  }
0x25: {  	[simem:s6], [sflag:s4] =	dma.local [hbm:s3], $0xF7A  }
0x26: {  	[smem:$0x3F9E] =	sst s1;
	(tag) =	ssettag s2;
	_ =	strace s9  }
0x27: {  	s1 =	sld [smem:$0x3FAE]  }
0x28: {  	s2 =	sld [smem:$0x3FAF]  }
0x29: {  	s4 =	sld [smem:$0x3FB1]  }
0x2a: {  	p0 =	seq.s32 s5, $0x0;
	s5 =	sld [smem:$0x3FB2]  }
0x2b: {  	s6 =	sld [smem:$0x3FB3]  }
0x2c: {  	s7 =	sld [smem:$0x3FB4]  }
0x2d: {  	s3 =	simm.s32 $0x108;
	s8 =	sld [smem:$0x3FB5]  }
0x2e: {  	s3 =	simm.s32 @!p0 $0x1082;
	s9 =	sld [smem:$0x3FB6]  }
0x2f: {  	lr =	sadd.s32 s0, s3;
	s0 =	sld [smem:$0x3FAD]  }
0x30: {  	s3 =	sld [smem:$0x3FB0]  }
0x31: {  	[smem:$0x3FB9] =	sst s10  }
0x32: {  	s10 =	sld [smem:$0x3FB7];
	_ =	sdelay $0x3  }
0x33: {  	p0 =	seq.s32 s10, $0x1;
	s10 =	sld [smem:$0x3FB9];
	_ =	sdelay $0x3  }
0x34: {  	[smem:$0x3FB9] =	sst s10  }
0x35: {  	s10 =	sld [smem:$0x3FB8];
	_ =	sdelay $0x3  }
0x36: {  	p1 =	seq.s32 s10, $0x1;
	s10 =	sld [smem:$0x3FB9];
	_ =	sdelay $0x3  }
0x37: {  	[smem:$0x3FB9] =	sst s10  }
0x38: {  	s10 =	sld [smem:$0x3FBA]  }
0x39: {  	_ = 	snop;
	(pc) =	sbr.ind lr, $3  }
0x3a: {  	_ = 	snop  }
0x3b: {  	_ = 	snop  }
0x3c: {  	p2 =	seq.s32 s10, $0x1;
	s10 =	sld [smem:$0x3FB9]  }
0x3d: {  	_ =	shalt  }
0x3e: {  	_ =	shalt  }
0x3f: {  	_ =	shalt  }
0x40: {  	_ =	shalt  }
0x41: {  	_ =	shalt  }
0x42: {  	_ =	shalt  }
0x43: {  	_ =	shalt  }
0x44: {  	_ =	shalt  }
0x45: {  	_ =	shalt  }
0x46: {  	_ =	shalt  }
0x47: {  	_ =	shalt  }
0x48: {  	_ =	shalt  }
0x49: {  	_ =	shalt  }
0x4a: {  	_ =	shalt  }
0x4b: {  	_ =	shalt  }
0x4c: {  	_ =	shalt  }
0x4d: {  	_ =	shalt  }
0x4e: {  	_ =	shalt  }
0x4f: {  	_ =	shalt  }
0x50: {  	_ =	shalt  }
0x51: {  	_ =	shalt  }
0x52: {  	_ =	shalt  }
0x53: {  	_ =	shalt  }
0x54: {  	_ =	shalt  }
0x55: {  	_ =	shalt  }
0x56: {  	_ =	shalt  }
0x57: {  	_ =	shalt  }
0x58: {  	_ =	shalt  }
0x59: {  	_ =	shalt  }
0x5a: {  	_ =	shalt  }
0x5b: {  	_ =	shalt  }
0x5c: {  	_ =	shalt  }
0x5d: {  	_ =	shalt  }
0x5e: {  	_ =	shalt  }
0x5f: {  	_ =	shalt  }
0x60: {  	_ =	shalt  }
0x61: {  	_ =	shalt  }
0x62: {  	_ =	shalt  }
0x63: {  	_ =	shalt  }
0x64: {  	_ =	shalt  }
0x65: {  	_ =	shalt  }
0x66: {  	_ =	shalt  }
0x67: {  	_ =	shalt  }
0x68: {  	_ =	shalt  }
0x69: {  	_ =	shalt  }
0x6a: {  	_ =	shalt  }
0x6b: {  	_ =	shalt  }
0x6c: {  	_ =	shalt  }
0x6d: {  	_ =	shalt  }
0x6e: {  	_ =	shalt  }
0x6f: {  	_ =	shalt  }
0x70: {  	_ =	shalt  }
0x71: {  	_ =	shalt  }
0x72: {  	_ =	shalt  }
0x73: {  	_ =	shalt  }
0x74: {  	_ =	shalt  }
0x75: {  	_ =	shalt  }
0x76: {  	_ =	shalt  }
0x77: {  	_ =	shalt  }
0x78: {  	_ =	shalt  }
0x79: {  	_ =	shalt  }
0x7a: {  	_ =	shalt  }
0x7b: {  	_ =	shalt  }
0x7c: {  	_ =	shalt  }
0x7d: {  	_ =	shalt  }
0x7e: {  	_ =	shalt  }
0x7f: {  	_ =	shalt  }
0x80: {  	_ =	shalt  }
0x81: {  	_ =	shalt  }
0x82: {  	_ =	shalt  }
0x83: {  	_ =	shalt  }
0x84: {  	_ =	shalt  }
0x85: {  	_ =	shalt  }
0x86: {  	_ =	shalt  }
0x87: {  	_ =	shalt  }
.Lfunc_end0:
.L_simem_size_0:
called_computation_lowered:
.L_overlay_start_0:
0x88: {  	s2 =	sld [smem:$0x3FD9]  }
0x89: {  	s3 =	sld [smem:$0x3FFE];
	_ =	sdelay $0x1  }
0x8a: {  	s1 =	srdreg.scid  }
0x8b: {  	s0 =	sand.u32 $0x1, s1  }
0x8c: {  	s17 =	sshll.u32 s0, $0xA;
	s2 =	sadd.s32 s3, s2  }
0x8d: {  	s2 =	sadd.s32 s2, s17  }
0x8e: {  	[smem:$0x3FC5] =	sst s2  }
0x8f: {  	_ = 	snop  }
0x90: {  	s2 =	sld [smem:$0x3FC9]  }
0x91: {  	s18 =	sld [smem:$0x3FC8]  }
0x92: {  	s4 =	sld [smem:$0x3FD0];
	(tm) =	ssettm $0x1  }
0x93: {  	s5 =	sld [smem:$0x3FFB];
	_ =	sdelay $0x3  }
0x94: {  	_ =	strace s5  }
0x95: {  	s5 =	sld [smem:$0x3FFC];
	_ =	sdelay $0x3  }
0x96: {  	_ =	strace s5  }
0x97: {  	s5 =	sld [smem:$0x3FFD];
	_ =	sdelay $0x3  }
0x98: {  	_ =	strace s5  }
0x99: {  	_ =	strace $0x8FFFFFFF  }
0x9a: {  	s19 =	sld [smem:$0x3FDB];
	_ =	sdelay $0x1  }
0x9b: {  	s6 =	simm.s32 $_scs_section_size  }
0x9c: {  	s7 =	simm.s32 $_size__tile_overlayer_lowered;
	s8 =	simm.s32 $_tile_overlayer_lowered  }
0x9d: {  	s22 =	simm.s32 $0x1BFF;
	s21 =	sshll.u32 s8, $0x1;
	s5 =	sadd.s32 s6, s19  }
0x9e: {  	s9 =	simm.s32 $0x0;
	s20 =	sshll.u32 s7, $0x1;
	s7 =	sadd.s32 s21, s5  }
0x9f: {  	[timem:s9], [sflag:s22] =	dma.local [hbm:s7], s20  }
0xa0: {  	_ =	swait.ge [sflag:s22], s20  }
0xa1: {  	s6 =	ssub.s32 $0x0, s20;
	[sflag:s22] =	ssyncset.done $0x0  }
0xa2: {  	[sflag:s22] =	ssyncadd.s32 s6;
	_ =	sdelay $0x1  }
0xa3: {  	s23 =	simm.s32 $0x1B8B  }
0xa4: {  	_ =	swait.ge [sflag:s23], $0x1  }
0xa5: {  	[sflag:s23] =	ssyncset.done $0x0  }
0xa6: {  	s25 =	simm.s32 $0x1B8E;
	s24 =	sld [smem:$0x3FFE];
	[sflag:s23] =	ssyncadd.s32 $0xFFFFFFFF  }
0xa7: {  	s26 =	simm.s32 $execute0_lowered;
	[smem:$0x3FD2] =	sst s25  }
0xa8: {  	s7 =	sshll.u32 s26, $0x1;
	_ =	strace $0x80000046;
	[dreg:$0x1] =	wrdreg $0xFFFFFFFF  }
0xa9: {  	s28 =	simm.s32 $_size_execute0_lowered;
	s5 =	sadd.s32 s5, s7;
	[dreg:$0x0] =	wrdreg $0x0  }
0xaa: {  	s7 =	sshll.u32 s28, $0x1;
	[dreg:$0x2] =	wrdreg s5  }
0xab: {  	[dreg:$0x3] =	wrdreg s7  }
0xac: {  	[dreg:$0x4] =	wrdreg $0xC0  }
0xad: {  	_ =	task [dreg:s9], $0x5FFFF  }
0xae: {  	[dreg:$0x1] =	wrdreg $0xFFFFFFFF  }
0xaf: {  	[dreg:$0x0] =	wrdreg $0x60  }
0xb0: {  	[dreg:$0x2] =	wrdreg s2  }
0xb1: {  	[dreg:$0x3] =	wrdreg s18  }
0xb2: {  	[dreg:$0x4] =	wrdreg s24  }
0xb3: {  	[dreg:$0x5] =	wrdreg s4  }
0xb4: {  	[dreg:$0x6] =	wrdreg $0x8000  }
0xb5: {  	[dreg:$0x7] =	wrdreg $0x9  }
0xb6: {  	_ =	task.clear_ibuf [dreg:s9], $0x8FFFF;
	_ =	strace $0x90000046  }
0xb7: {  	s29 =	simm.s32 $0x9;
	_ =	strace $0x80000048  }
0xb8: {  	_ =	swait.ge [sflag:s29], $0x1  }
0xb9: {  	[sflag:s29] =	ssyncadd.s32 $0xFFFFFFFF  }
0xba: {  	_ =	strace $0x90000048  }
0xbb: {  	_ =	sfence  }
0xbc: {  	s30 =	sld [smem:$0x0];
	_ =	sdelay $0x2  }
0xbd: {  	s31 =	sshll.u32 s1, $0xD;
	s1 =	sshrl.u32 s1, $0x2  }
0xbe: {  	s3 =	sand.u32 $0x4000, s31;
	s1 =	sadd.s32 s1, s30  }
0xbf: {  	s0 =	sor.u32 s3, s0;
	s1 =	sshll.u32 s1, $0x11  }
0xc0: {  	s0 =	sor.u32 s1, s0  }
0xc1: {  	s0 =	sadd.s32 $0x8F2B, s0  }
0xc2: {  	[sflag:s0] =	ssyncadd.remote.s32 $0x1  }
0xc3: {  	_ =	sfence.sel $0xFFFF  }
0xc4: {  	[dreg:$0x0] =	wrdreg $0xFFFFFFFF;
	(pc) =	sbr.abs _section_cstart, $3  }
0xc5: {  	[dreg:$0x1] =	wrdreg $0xFFFFFFFF  }
0xc6: {  	_ =	task.clear_ibuf [dreg:s9], $0x2FFFF;
	_ =	strace $0x9FFFFFFF  }
0xc7: {  	(tm) =	ssettm $0x7FFFFFFF  }
tec
execute0_lowered:
.L_overlay_start_1:
0x0: {  	(tag) =	ssettag $0x1  }
0x1: {  	s3 =	rddreg [dreg:$0x0]  }
0x2: {  	s4 =	rddreg [dreg:$0x1]  }
0x3: {  	s5 =	rddreg [dreg:$0x2]  }
0x4: {  	s6 =	rddreg [dreg:$0x3]  }
0x5: {  	s1 =	rddreg [dreg:$0x4]  }
0x6: {  	s0 =	rddreg [dreg:$0x5];
	s2 =	simm.s32 $0x0  }
0x7: {  	s7 =	srdreg.scid;
	s8 =	stileid.u32;
	s11 =	simm.s32 $0x1  }
0x8: {  	s12 =	simm.s32 $0x80;
	s13 =	simm.s32 $0x400;
	s14 =	simm.s32 $0x600  }
0x9: {  	s15 =	simm.s32 $0x480;
	s16 =	simm.s32 $0x680;
	s17 =	simm.s32 $0x500  }
0xa: {  	s18 =	simm.s32 $0x700;
	s19 =	simm.s32 $0x580;
	s20 =	simm.s32 $0x780  }
0xb: {  	s21 =	simm.s32 $0x2;
	s22 =	simm.s32 $0x3;
	s23 =	simm.s32 $0x4  }
0xc: {  	s24 =	simm.s32 $0x5;
	s25 =	simm.s32 $0x6;
	s26 =	simm.s32 $0x7  }
0xd: {  	s28 =	simm.s32 $0x8;
	s29 =	simm.s32 $0x9;
	[smem:$0x7FF] =	sst s2  }
0xe: {  	s5 =	sadd.s32 $0x400, s5;
	s7 =	sand.u32 $0x1, s7;
	s10 =	sshll.u32 s8, $0x7  }
0xf: {  	p0 =	sne.s32 s8, $0x0;
	_ =	strace $0x80000047;
	s9 =	ssub.s32 $0x2, s7  }
0x10: {  	s7 =	sshll.u32 s7, $0x6;
	[dreg:$0x6] =	wrdreg s5;
	s30 =	sshrl.u32 s9, $0x1  }
0x11: {  	s7 =	sor.u32 s7, s10;
	s10 =	sshrl.u32 @!p0 s1, $0x3;
	s9 =	ssub.s32 s9, s30  }
0x12: {  	s31 =	sadd.s32 s3, s7;
	s3 =	sadd.s32 s6, s7;
	s4 =	sadd.s32 s4, s7  }
0x13: {  	[dreg:$0x7] =	wrdreg s31;
	s5 =	sadd.s32 $0x10, s3;
	s6 =	sadd.s32 $0x20, s3  }
0x14: {  	s7 =	sadd.s32 $0x30, s3;
	s8 =	smax.u32 s9, $0x1;
	s9 =	simm.s32 $0x200  }
.LBB2_1:
0x15: {  	s30 =	rddreg [dreg:$0x7]  }
0x16: {  	[tilespmem:s2], [sflag:$0x1] =	stream.linear.gather [hbm4b:s30+s2], $0x200, $0x38;
	[tilespmem:$0xC18] =	vst v63  }
0x17: {  	s31 =	simm.s32 @!p0 $0x1C0A;
	s30 =	rddreg [dreg:$0x6]  }
0x18: {  	[tilespmem:s9], [sflag:$0x1] =	stream.linear.gather [hbm4b:s4+s2], $0x200, $0x38;
	[tilespmem:$0xC18] =	vst v63  }
0x19: {  	[spmem:s10], [sflag:s31] =	dma.local @!p0 [hbm:s30], $0x830  }
0x1a: {  	_ =	swait.ge [sflag:s11], $0x200  }
0x1b: {  	[sflag:s11] =	ssyncset.done $0x0  }
0x1c: {  	[sflag:s11] =	ssyncadd.s32 $0xFFFFFE00  }
0x1d: {  	_ =	swait.ge [sflag:s11], $0x200  }
0x1e: {  	[sflag:s11] =	ssyncset.done $0x0  }
0x1f: {  	[sflag:s11] =	ssyncadd.s32 $0xFFFFFE00  }
0x20: {  	v0 =	vld [tilespmem:$0x0]  }
0x21: {  	v1 =	vld [tilespmem:$0x200]  }
0x22: {  	v2 =	vld [tilespmem:$0x10]  }
0x23: {  	v3 =	vld [tilespmem:$0x210]  }
0x24: {  	v4 =	vld [tilespmem:$0x20]  }
0x25: {  	v5 =	vld [tilespmem:$0x220]  }
0x26: {  	v6 =	vld [tilespmem:$0x30]  }
0x27: {  	v7 =	vld [tilespmem:$0x230]  }
0x28: {  	v8 =	vld [tilespmem:$0x40]  }
0x29: {  	v9 =	vld [tilespmem:$0x240]  }
0x2a: {  	v10 =	vld [tilespmem:$0x50]  }
0x2b: {  	v11 =	vld [tilespmem:$0x250]  }
0x2c: {  	v12 =	vld [tilespmem:$0x60]  }
0x2d: {  	v13 =	vld [tilespmem:$0x260]  }
0x2e: {  	v14 =	vld [tilespmem:$0x70]  }
0x2f: {  	v15 =	vld [tilespmem:$0x270]  }
0x30: {  	v16 =	vld [tilespmem:$0x80]  }
0x31: {  	v17 =	vld [tilespmem:$0x280]  }
0x32: {  	v18 =	vld [tilespmem:$0x90]  }
0x33: {  	v19 =	vld [tilespmem:$0x290]  }
0x34: {  	v20 =	vld [tilespmem:$0xA0]  }
0x35: {  	v21 =	vld [tilespmem:$0x2A0]  }
0x36: {  	v22 =	vld [tilespmem:$0xB0]  }
0x37: {  	v23 =	vld [tilespmem:$0x2B0]  }
0x38: {  	v24 =	vld [tilespmem:$0xC0]  }
0x39: {  	v25 =	vld [tilespmem:$0x2C0]  }
0x3a: {  	v26 =	vld [tilespmem:$0xD0]  }
0x3b: {  	v27 =	vld [tilespmem:$0x2D0]  }
0x3c: {  	v28 =	vld [tilespmem:$0xE0]  }
0x3d: {  	v29 =	vld [tilespmem:$0x2E0]  }
0x3e: {  	v30 =	vld [tilespmem:$0xF0]  }
0x3f: {  	v31 =	vld [tilespmem:$0x2F0]  }
0x40: {  	v32 =	vld [tilespmem:$0x100]  }
0x41: {  	v33 =	vld [tilespmem:$0x300]  }
0x42: {  	v34 =	vld [tilespmem:$0x110]  }
0x43: {  	v35 =	vld [tilespmem:$0x310];
	v0 =	vmul.u32 $0x81, v0  }
0x44: {  	v36 =	vld [tilespmem:$0x120];
	v2 =	vmul.u32 $0x81, v2  }
0x45: {  	v38 =	vld [tilespmem:$0x350];
	v54 =	vmul.u32 $0x81, v4;
	v0 =	vadd.s32 v1, v0  }
0x46: {  	v41 =	vld [tilespmem:$0x160];
	v56 =	vmul.u32 $0x81, v6;
	v55 =	vadd.s32 v3, v2;
	[tilespmem:$0x400] =	vst v0  }
0x47: {  	v44 =	vld [tilespmem:$0x360];
	v58 =	vmul.u32 $0x81, v8;
	v57 =	vadd.s32 v5, v54;
	[tilespmem:$0x410] =	vst v55  }
0x48: {  	v47 =	vld [tilespmem:$0x170];
	v60 =	vmul.u32 $0x81, v10;
	v59 =	vadd.s32 v7, v56;
	[tilespmem:$0x420] =	vst v57  }
0x49: {  	v50 =	vld [tilespmem:$0x370];
	v62 =	vmul.u32 $0x81, v12;
	v61 =	vadd.s32 v9, v58;
	[tilespmem:$0x430] =	vst v59  }
0x4a: {  	v53 =	vld [tilespmem:$0x180];
	v12 =	vmul.u32 $0x81, v14;
	v63 =	vadd.s32 v11, v60;
	[tilespmem:$0x440] =	vst v61  }
0x4b: {  	v4 =	vld [tilespmem:$0x320];
	v37 =	vmul.u32 $0x81, v16;
	v14 =	vadd.s32 v13, v62;
	[tilespmem:$0x450] =	vst v63  }
0x4c: {  	v6 =	vld [tilespmem:$0x140];
	v40 =	vmul.u32 $0x81, v18;
	v39 =	vadd.s32 v15, v12;
	[tilespmem:$0x460] =	vst v14  }
0x4d: {  	v8 =	vld [tilespmem:$0x150];
	v43 =	vmul.u32 $0x81, v20;
	v42 =	vadd.s32 v17, v37;
	[tilespmem:$0x470] =	vst v39  }
0x4e: {  	v46 =	vmul.u32 $0x81, v22;
	v22 =	vld [tilespmem:$0x1A0];
	v45 =	vadd.s32 v19, v40;
	[tilespmem:$0x480] =	vst v42  }
0x4f: {  	v49 =	vmul.u32 $0x81, v24;
	v3 =	vld [tilespmem:$0x130];
	v48 =	vadd.s32 v21, v43;
	[tilespmem:$0x490] =	vst v45  }
0x50: {  	v24 =	vmul.u32 $0x81, v36;
	v36 =	vmul.u32 $0x81, v41;
	v5 =	vld [tilespmem:$0x330];
	v51 =	vadd.s32 v23, v46;
	[tilespmem:$0x4A0] =	vst v48  }
0x51: {  	v52 =	vmul.u32 $0x81, v26;
	v7 =	vld [tilespmem:$0x340];
	v54 =	vadd.s32 v25, v49;
	[tilespmem:$0x4B0] =	vst v51  }
0x52: {  	v56 =	vld [tilespmem:$0x380];
	v58 =	vmul.u32 $0x81, v30;
	v41 =	vadd.s32 v44, v36;
	[tilespmem:$0x4C0] =	vst v54  }
0x53: {  	v62 =	vld [tilespmem:$0x390];
	v21 =	vmul.u32 $0x81, v34;
	v57 =	vadd.s32 v27, v52;
	[tilespmem:$0x560] =	vst v41  }
0x54: {  	v25 =	vld [tilespmem:$0x3A0];
	v55 =	vmul.u32 $0x81, v28;
	[tilespmem:$0x4D0] =	vst v57;
	v63 =	vadd.s32 v31, v58  }
0x55: {  	v34 =	vld [tilespmem:$0x1C0];
	v61 =	vmul.u32 $0x81, v32;
	v26 =	vadd.s32 v35, v21;
	[tilespmem:$0x4F0] =	vst v63  }
0x56: {  	v37 =	vld [tilespmem:$0x3C0];
	v60 =	vadd.s32 v29, v55;
	[tilespmem:$0x510] =	vst v26  }
0x57: {  	v40 =	vld [tilespmem:$0x1D0];
	v39 =	vmul.u32 $0x81, v47;
	v23 =	vadd.s32 v33, v61;
	[tilespmem:$0x4E0] =	vst v60  }
0x58: {  	v43 =	vld [tilespmem:$0x3D0];
	v29 =	vadd.s32 v4, v24;
	v30 =	vmul.u32 $0x81, v6;
	[tilespmem:$0x500] =	vst v23  }
0x59: {  	v46 =	vld [tilespmem:$0x1E0];
	v33 =	vmul.u32 $0x81, v8;
	v44 =	vadd.s32 v50, v39;
	[tilespmem:$0x520] =	vst v29  }
0x5a: {  	v59 =	vld [tilespmem:$0x190];
	v42 =	vmul.u32 $0x81, v53;
	[tilespmem:$0x570] =	vst v44;
	v35 =	vadd.s32 v7, v30  }
0x5b: {  	v28 =	vld [tilespmem:$0x1B0];
	v48 =	vmul.u32 $0x81, v22;
	v38 =	vadd.s32 v38, v33;
	[tilespmem:$0x540] =	vst v35  }
0x5c: {  	v49 =	vld [tilespmem:$0x1F0];
	v27 =	vmul.u32 $0x81, v3;
	v47 =	vadd.s32 v56, v42;
	[tilespmem:$0x550] =	vst v38  }
0x5d: {  	v31 =	vld [tilespmem:$0x3B0];
	v53 =	vadd.s32 v25, v48;
	v54 =	vmul.u32 $0x81, v34;
	[tilespmem:$0x580] =	vst v47  }
0x5e: {  	v52 =	vld [tilespmem:$0x3E0];
	v57 =	vmul.u32 $0x81, v40;
	[tilespmem:$0x5A0] =	vst v53;
	v32 =	vadd.s32 v5, v27  }
0x5f: {  	v55 =	vld [tilespmem:$0x3F0];
	v45 =	vmul.u32 $0x81, v59;
	v58 =	vadd.s32 v37, v54;
	[tilespmem:$0x530] =	vst v32  }
0x60: {  	v51 =	vmul.u32 $0x81, v28;
	v60 =	vadd.s32 v43, v57;
	[tilespmem:$0x5C0] =	vst v58  }
0x61: {  	v59 =	vmul.u32 $0x81, v46;
	v50 =	vadd.s32 v62, v45;
	[tilespmem:$0x5D0] =	vst v60  }
0x62: {  	v61 =	vmul.u32 $0x81, v49;
	v56 =	vadd.s32 v31, v51;
	[tilespmem:$0x590] =	vst v50  }
0x63: {  	v62 =	vadd.s32 v52, v59;
	[tilespmem:$0x5B0] =	vst v56  }
0x64: {  	v63 =	vadd.s32 v55, v61;
	[tilespmem:$0x5E0] =	vst v62  }
0x65: {  	s30 =	simm.s32 @!p0 $0xA;
	[tilespmem:$0x5F0] =	vst v63  }
0x66: {  	_ =	swait.ge @!p0 [sflag:s30], $0x830  }
0x67: {  	[sflag:s30] =	ssyncset.done @!p0 $0x0  }
0x68: {  	[sflag:s30] =	ssyncadd.s32 @!p0 $0xFFFFF7D0  }
0x69: {  	[bflag:$0x0] =	sbarrier.arrive $0xFFFF  }
0x6a: {  	[tilespmem:s14], [sflag:$0x2] =	stream.indirect.gather [spmem:s1], $0x1, s13, s12, $0xb8;
	[tilespmem:$0xC18] =	vst v63  }
0x6b: {  	_ = 	snop  }
0x6c: {  	[tilespmem:s16], [sflag:$0x3] =	stream.indirect.gather [spmem:s1], $0x1, s15, s12, $0xb8;
	[tilespmem:$0xC18] =	vst v63  }
0x6d: {  	_ = 	snop  }
0x6e: {  	[tilespmem:s18], [sflag:$0x4] =	stream.indirect.gather [spmem:s1], $0x1, s17, s12, $0xb8;
	[tilespmem:$0xC18] =	vst v63  }
0x6f: {  	_ = 	snop  }
0x70: {  	[tilespmem:s20], [sflag:$0x5] =	stream.indirect.gather [spmem:s1], $0x1, s19, s12, $0xb8;
	[tilespmem:$0xC18] =	vst v63  }
0x71: {  	_ =	swait.ge [sflag:s21], $0x80  }
0x72: {  	[sflag:s21] =	ssyncset.done $0x0  }
0x73: {  	[sflag:s21] =	ssyncadd.s32 $0xFFFFFF80  }
0x74: {  	[hbm4b:s3+s2] =	stream.linear.scatter [tilespmem:s14], [sflag:$0x6], $0x80, $0x38;
	[tilespmem:$0xC18] =	vst v63  }
0x75: {  	_ =	swait.ge [sflag:s22], $0x80  }
0x76: {  	[sflag:s22] =	ssyncset.done $0x0  }
0x77: {  	[sflag:s22] =	ssyncadd.s32 $0xFFFFFF80  }
0x78: {  	[hbm4b:s5+s2] =	stream.linear.scatter [tilespmem:s16], [sflag:$0x7], $0x80, $0x38;
	[tilespmem:$0xC18] =	vst v63  }
0x79: {  	_ =	swait.ge [sflag:s23], $0x80  }
0x7a: {  	[sflag:s23] =	ssyncset.done $0x0  }
0x7b: {  	[sflag:s23] =	ssyncadd.s32 $0xFFFFFF80  }
0x7c: {  	[hbm4b:s6+s2] =	stream.linear.scatter [tilespmem:s18], [sflag:$0x8], $0x80, $0x38;
	[tilespmem:$0xC18] =	vst v63  }
0x7d: {  	_ =	swait.ge [sflag:s24], $0x80  }
0x7e: {  	[sflag:s24] =	ssyncset.done $0x0  }
0x7f: {  	[sflag:s24] =	ssyncadd.s32 $0xFFFFFF80  }
0x80: {  	[hbm4b:s7+s2] =	stream.linear.scatter [tilespmem:s20], [sflag:$0x9], $0x80, $0x38;
	[tilespmem:$0xC18] =	vst v63  }
0x81: {  	_ =	swait.ge [sflag:s25], $0x80  }
0x82: {  	[sflag:s25] =	ssyncset.done $0x0  }
0x83: {  	[sflag:s25] =	ssyncadd.s32 $0xFFFFFF80  }
0x84: {  	_ =	swait.ge [sflag:s26], $0x80  }
0x85: {  	[sflag:s26] =	ssyncset.done $0x0  }
0x86: {  	s8 =	sadd.s32 $0xFFFFFFFF, s8;
	[sflag:s26] =	ssyncadd.s32 $0xFFFFFF80  }
0x87: {  	p1 =	sne.s32 s8, $0x0;
	_ =	swait.ge [sflag:s28], $0x80  }
.Ltmp0:
0x88: {  	[sflag:s28] =	ssyncset.done $0x0;
	(pc) =	sbr.rel @p1 .LBB2_1-.Ltmp0, $4  }
0x89: {  	[sflag:s28] =	ssyncadd.s32 $0xFFFFFF80  }
0x8a: {  	_ =	swait.ge [sflag:s29], $0x80  }
0x8b: {  	[sflag:s29] =	ssyncset.done $0x0  }
0x8c: {  	[sflag:s29] =	ssyncadd.s32 $0xFFFFFF80  }
0x8d: {  	_ =	sfence.sel $0x180000  }
0x8e: {  	[bflag:$0x0] =	sbarrier.arrive $0xFFFF  }
0x8f: {  	_ =	strace $0x90000047  }
0x90: {  	s0 =	sadd.s32 @!p0 $0x100000, s0;
	[bflag:$0x2] =	sbarrier.arrive $0xFFFF  }
0x91: {  	[sflag:s0] =	ssyncadd.tile.s32 @!p0 $0x1;
	_ =	shalt  }
.Lfunc_end2:
_tile_overlayer_lowered:
.L_overlay_start_2:
0x92: {  	(tag) =	ssettag $0x2  }
0x93: {  	s0 =	rddreg [dreg:$0x0];
	s2 =	stileid.u32  }
0x94: {  	s1 =	rddreg [dreg:$0x1];
	p0 =	sne.s32 s2, $0x0  }
0x95: {  	s3 =	rddreg [dreg:$0x2];
	[bflag:$0x3] =	sbarrier.arrive $0xFFFF;
	s2 =	simm.s32 @!p0 $0x1C0B  }
0x96: {  	[timem:s3], [sflag:s2] =	dma.local @!p0 [hbm:s0], s1  }
0x97: {  	s0 =	simm.s32 @!p0 $0xB  }
0x98: {  	_ =	swait.ge @!p0 [sflag:s0], s1  }
0x99: {  	s1 =	ssub.s32 @!p0 $0x0, s1;
	[sflag:s0] =	ssyncset.done @!p0 $0x0  }
0x9a: {  	[sflag:s0] =	ssyncadd.s32 @!p0 s1  }
0x9b: {  	[bflag:$0x3] =	sbarrier.arrive $0xFFFF  }
0x9c: {  	_ =	shalt  }

</sc_bundles>
